<compile_context>
chip_gen: v7x
topology: tpu7x:2x2x1
jax: 0.10.2.dev20260603
libtpu: 0.0.44.dev20260713+nightly
codegen_flags: <defaults>
</compile_context>

<pallas_src>
import jax
import jax.numpy as jnp
from jax import lax
from jax.experimental import pallas as pl
from jax.experimental.pallas import tpu as pltpu
from jax.experimental.pallas import tpu_sc as plsc

_N_NODES = 10000
_N_EDGES = 320000
_C = 128
_N_EPAD = 327680
_K = 1
_N_SL = _N_EPAD // _K
_N_CH = _N_SL // _C
_B_E = 2560
_EB_TOT = _N_EDGES // _B_E
_EB_SL = _N_SL // _B_E
_B_N = 2000
_TILES = 16
_N_PAD = 10240
_ROWS_PT = _N_PAD // _TILES
_CH_A_PT = _N_CH // _TILES
_IDXB = 80
_IDX_BLKS = _CH_A_PT // _IDXB


def _edge_body(ef_ref, g_ref, we1_ref, be1_ref, we2_ref, wge2_ref, be2_ref,
               sl_ref, e1_ref, e2_ref, esum_ref):
    e1 = jnp.maximum(ef_ref[...] @ we1_ref[...] + be1_ref[...], 0.0)
    gterm = g_ref[...] @ wge2_ref[...] + be2_ref[...]
    e2 = jnp.maximum(e1 @ we2_ref[...] + gterm, 0.0)
    e1_ref[...] = e1
    e2_ref[...] = e2

    @pl.when(pl.program_id(0) == 0)
    def _():
        esum_ref[...] = jnp.zeros_like(esum_ref)

    rid = (sl_ref[0] * _N_SL + pl.program_id(0) * _B_E
           + lax.broadcasted_iota(jnp.int32, (_B_E, 1), 0))
    esum_ref[...] += jnp.sum(jnp.where(rid < _N_EDGES, e2, 0.0),
                             axis=0, keepdims=True)


def _edge_pass(ef, g, we1, be1, we2, wge2, be2, sl, h, *, interpret=False):
    base = h * _EB_SL
    return pl.pallas_call(
        _edge_body,
        grid=(_EB_SL,),
        in_specs=[
            pl.BlockSpec((_B_E, 16),
                         lambda i: (jnp.minimum(base + i, _EB_TOT - 1), 0)),
            pl.BlockSpec((1, 32), lambda i: (0, 0)),
            pl.BlockSpec((16, 256), lambda i: (0, 0)),
            pl.BlockSpec((1, 256), lambda i: (0, 0)),
            pl.BlockSpec((256, 128), lambda i: (0, 0)),
            pl.BlockSpec((32, 128), lambda i: (0, 0)),
            pl.BlockSpec((1, 128), lambda i: (0, 0)),
            pl.BlockSpec(memory_space=pltpu.SMEM),
        ],
        out_specs=[
            pl.BlockSpec((_B_E, 256), lambda i: (i, 0)),
            pl.BlockSpec((_B_E, 128), lambda i: (i, 0)),
            pl.BlockSpec((1, 128), lambda i: (0, 0)),
        ],
        out_shape=[
            jax.ShapeDtypeStruct((_N_SL, 256), jnp.float32),
            jax.ShapeDtypeStruct((_N_SL, 128), jnp.float32),
            jax.ShapeDtypeStruct((1, 128), jnp.float32),
        ],
        interpret=interpret,
    )(ef, g, we1, be1, we2, wge2, be2, sl)


def _sc_agg_body(e1_hbm, e2_hbm, recv_hbm, zeros_hbm, zeros1_hbm, ones_hbm,
                 agg1_out, cnt_out, agg2_out,
                 acc, cntacc, upd, idxb, ones_v, sem0, sem1):
    cid = lax.axis_index("c")
    sid = lax.axis_index("s")
    r0 = sid * _ROWS_PT
    col0 = cid * 128

    pltpu.sync_copy(zeros_hbm.at[pl.ds(r0, _ROWS_PT), :],
                    acc.at[pl.ds(r0, _ROWS_PT), :])
    pltpu.sync_copy(zeros1_hbm.at[pl.ds(r0, _ROWS_PT)],
                    cntacc.at[pl.ds(r0, _ROWS_PT)])
    pltpu.sync_copy(ones_hbm, ones_v)
    plsc.subcore_barrier()

    def _run_phase(src_slice, n_chunks, rowfn, with_counts):
        for blk in range(_IDX_BLKS):
            row0 = sid * _CH_A_PT + blk * _IDXB

            def _start(r, b):
                pltpu.async_copy(src_slice(row0 + r), upd.at[b],
                                 sem0 if b == 0 else sem1)

            def _wait(b):
                pltpu.make_async_copy(src_slice(0), upd.at[b],
                                      sem0 if b == 0 else sem1).wait()

            def _scatter(r, b):
                pltpu.sync_copy(upd.at[b], acc.at[idxb.at[r]], add=True)
                if with_counts:
                    pltpu.sync_copy(ones_v, cntacc.at[idxb.at[r]], add=True)

            pltpu.sync_copy(recv_hbm.at[pl.ds(row0, _IDXB), :], idxb)
            _start(rowfn(0), 0)

            def _pair(i, carry):
                k0 = 2 * i
                k1 = k0 + 1
                _start(rowfn(k1), 1)
                _wait(0)
                _scatter(rowfn(k0), 0)

                @pl.when(k0 + 2 < n_chunks)
                def _():
                    _start(rowfn(k0 + 2), 0)

                _wait(1)
                _scatter(rowfn(k1), 1)
                return carry

            lax.fori_loop(0, n_chunks // 2, _pair, 0)

    _run_phase(
        lambda ch: e1_hbm.at[pl.ds(ch * _C, _C), pl.ds(col0, 128)],
        _IDXB, lambda k: k, False)
    plsc.subcore_barrier()

    pltpu.sync_copy(acc.at[pl.ds(r0, _ROWS_PT), :],
                    agg1_out.at[pl.ds(r0, _ROWS_PT), pl.ds(col0, 128)])
    pltpu.sync_copy(zeros_hbm.at[pl.ds(r0, _ROWS_PT), :],
                    acc.at[pl.ds(r0, _ROWS_PT), :])
    plsc.subcore_barrier()

    _run_phase(
        lambda ch: e2_hbm.at[pl.ds(ch * _C, _C), :],
        _IDXB // 2, lambda k: 2 * k + cid, True)
    plsc.subcore_barrier()
    pltpu.sync_copy(acc.at[pl.ds(r0, _ROWS_PT), :],
                    agg2_out.at[cid, pl.ds(r0, _ROWS_PT), :])
    pltpu.sync_copy(cntacc.at[pl.ds(r0, _ROWS_PT)],
                    cnt_out.at[pl.ds(cid * _N_PAD + r0, _ROWS_PT)])


def _sc_aggregate(e1, e2, recv2, zeros_n, zeros1, ones_h):
    agg = pl.kernel(
        _sc_agg_body,
        cost_estimate=pl.CostEstimate(
            flops=0, bytes_accessed=1_000_000_000 // _K, transcendentals=0),
        out_type=[
            jax.ShapeDtypeStruct((_N_PAD, 256), jnp.float32),
            jax.ShapeDtypeStruct((2 * _N_PAD,), jnp.float32),
            jax.ShapeDtypeStruct((2, _N_PAD, 128), jnp.float32),
        ],
        mesh=plsc.VectorSubcoreMesh(core_axis_name="c", subcore_axis_name="s"),
        scratch_types=[
            pltpu.VMEM_SHARED((_N_PAD, 128), jnp.float32),
            pltpu.VMEM_SHARED((_N_PAD,), jnp.float32),
            pltpu.VMEM((2, _C, 128), jnp.float32),
            pltpu.VMEM((_IDXB, _C), jnp.int32),
            pltpu.VMEM((_C,), jnp.float32),
            pltpu.SemaphoreType.DMA,
            pltpu.SemaphoreType.DMA,
        ],
    )
    return agg(e1, e2, recv2, zeros_n, zeros1, ones_h)


def _node_body(*refs):
    (nf_ref, g_ref, wn1_ref, win1_ref, bn1_ref, wn2_ref, win2_ref,
     wgn2_ref, bn2_ref) = refs[:9]
    a1_refs = refs[9:9 + _K]
    cnt_refs = refs[9 + _K:9 + 3 * _K]
    p_refs = refs[9 + 3 * _K:9 + 5 * _K]
    nsum_ref = refs[-1]


    cnt = cnt_refs[0][0]
    for r in cnt_refs[1:]:
        cnt = cnt + r[0]
    cnt = jnp.maximum(cnt, 1.0)
    a1 = a1_refs[0][...]
    for r in a1_refs[1:]:
        a1 = a1 + r[...]
    p = p_refs[0][0]
    for r in p_refs[1:]:
        p = p + r[0]
    agg1 = a1 / cnt
    agg2 = p / cnt
    n1 = jnp.maximum(nf_ref[...] @ wn1_ref[...] + agg1 @ win1_ref[...]
                     + bn1_ref[...], 0.0)
    gterm = g_ref[...] @ wgn2_ref[...] + bn2_ref[...]
    n2 = jnp.maximum(n1 @ wn2_ref[...] + agg2 @ win2_ref[...] + gterm, 0.0)

    @pl.when(pl.program_id(0) == 0)
    def _():
        nsum_ref[...] = jnp.zeros_like(nsum_ref)

    nsum_ref[...] += jnp.sum(n2, axis=0, keepdims=True)

    @pl.when(pl.program_id(0) == pl.num_programs(0) - 1)
    def _():
        (wgn_ref, wge_ref, wgg_ref, bg_ref, wm_ref, bm_ref, wl_ref,
         bl_ref) = refs[9 + 5 * _K:17 + 5 * _K]
        es_refs = refs[17 + 5 * _K:17 + 6 * _K]
        mean_ref, logstd_ref = refs[-3:-1]
        esum = es_refs[0][...]
        for r in es_refs[1:]:
            esum = esum + r[...]
        u = (nsum_ref[...] * (1.0 / _N_NODES)) @ wgn_ref[...] \
            + (esum * (1.0 / _N_EDGES)) @ wge_ref[...] \
            + g_ref[...] @ wgg_ref[...] + bg_ref[...]
        gv = jnp.maximum(u, 0.0)
        mean_ref[...] = gv @ wm_ref[...] + bm_ref[...]
        logstd_ref[...] = jnp.clip(gv @ wl_ref[...] + bl_ref[...],
                                   -20.0, 2.0)


def _node_pass(nf, g, wn1, win1, bn1, wn2, win2, wgn2, bn2,
               a1s, cnts, ps, wgn, wge, wgg, bg, wm, bm, wl, bl, esums,
               *, interpret=False):
    n_blk = _N_NODES // _B_N
    node_blk = lambda w: pl.BlockSpec((_B_N, w), lambda i: (i, 0))
    const_blk = lambda r, c: pl.BlockSpec((r, c), lambda i: (0, 0))
    core_blk = lambda c, w: pl.BlockSpec((1, _B_N, w),
                                         lambda i, c=c: (c, i, 0))
    cnt_specs, cnt_args = [], []
    for arr in cnts:
        for c in range(2):
            cnt_specs.append(core_blk(c, 1))
            cnt_args.append(arr)
    p_specs, p_args = [], []
    for arr in ps:
        for c in range(2):
            p_specs.append(core_blk(c, 128))
            p_args.append(arr)
    return pl.pallas_call(
        _node_body,
        grid=(n_blk,),
        in_specs=(
            [node_blk(128), const_blk(1, 32),
             const_blk(128, 256), const_blk(256, 256), const_blk(1, 256),
             const_blk(256, 128), const_blk(128, 128), const_blk(32, 128),
             const_blk(1, 128)]
            + [node_blk(256)] * _K
            + cnt_specs + p_specs
            + [const_blk(128, 64), const_blk(128, 64), const_blk(32, 64),
               const_blk(1, 64), const_blk(64, 8), const_blk(1, 8),
               const_blk(64, 8), const_blk(1, 8)]
            + [const_blk(1, 128)] * _K
        ),
        out_specs=[pl.BlockSpec((1, 8), lambda i: (0, 0)),
                   pl.BlockSpec((1, 8), lambda i: (0, 0)),
                   pl.BlockSpec((1, 128), lambda i: (0, 0))],
        out_shape=[jax.ShapeDtypeStruct((1, 8), jnp.float32),
                   jax.ShapeDtypeStruct((1, 8), jnp.float32),
                   jax.ShapeDtypeStruct((1, 128), jnp.float32)],
        interpret=interpret,
    )(nf, g, wn1, win1, bn1, wn2, win2, wgn2, bn2, *a1s, *cnt_args, *p_args,
      wgn, wge, wgg, bg, wm, bm, wl, bl, *esums)


def kernel(node_features, edge_features, global_features, edge_index,
           W_e1, b_e1, W_n1, W_in1, b_n1,
           W_e2, W_ge2, b_e2,
           W_n2, W_in2, W_gn2, b_n2,
           W_gn, W_gedge, W_gg, b_g,
           W_mean, b_mean, W_logstd, b_logstd):
    n_pad_e = _N_EPAD - _N_EDGES
    recv = edge_index[1].astype(jnp.int32)
    pad_idx = _N_NODES + (jnp.arange(n_pad_e, dtype=jnp.int32)
                          % (_N_PAD - _N_NODES))
    recv_pad = jnp.concatenate([recv, pad_idx])
    zeros_n = jnp.zeros((_N_PAD, 128), jnp.float32)
    zeros1 = jnp.zeros((_N_PAD,), jnp.float32)
    ones_h = jnp.ones((_C,), jnp.float32)
    be1 = b_e1.reshape(1, -1)
    be2 = b_e2.reshape(1, -1)

    a1s, cnts, ps, esums = [], [], [], []
    for h in range(_K):
        recv_h = lax.slice_in_dim(recv_pad, h * _N_SL,
                                  (h + 1) * _N_SL).reshape(_N_CH, _C)
        e1, e2, esum = _edge_pass(
            edge_features, global_features, W_e1, be1, W_e2, W_ge2, be2,
            jnp.array([h], jnp.int32), h)
        agg1s, cnt_flat, agg2p = _sc_aggregate(
            e1, e2, recv_h, zeros_n, zeros1, ones_h)
        a1s.append(agg1s)
        cnts.append(cnt_flat.reshape(2, _N_PAD, 1))
        ps.append(agg2p)
        esums.append(esum)

    mean, log_std, _ = _node_pass(
        node_features, global_features, W_n1, W_in1, b_n1.reshape(1, -1),
        W_n2, W_in2, W_gn2, b_n2.reshape(1, -1), a1s, cnts, ps,
        W_gn, W_gedge, W_gg, b_g.reshape(1, -1),
        W_mean, b_mean.reshape(1, -1), W_logstd, b_logstd.reshape(1, -1),
        esums)
    return (mean, log_std)

# --- scband reference (transcript-rebuilt; emitter-appended) ---
"""Pipeline reference for scband-gaussian-policy-89103391522967 (READ-ONLY COPY).

The authoritative reference and input builder live on the scoring server;
editing this copy changes nothing except your own understanding.
"""

import jax, jax.numpy as jnp
import numpy as np

N_NODES = 10000
N_EDGES = 320000
D_NODE = 128
D_EDGE = 16
D_GLOBAL = 32
HID = 64
N_ACT = 8


def _glorot(key, shape):
    fan_in, fan_out = shape[0], shape[1]
    limit = jnp.sqrt(6.0 / (fan_in + fan_out))
    return jax.random.uniform(key, shape, minval=-limit, maxval=limit, dtype=jnp.float32)


def setup_inputs(seed: int = 0) -> dict:
    key = jax.random.key(seed)
    ks = jax.random.split(key, 24)
    inp = {}
    inp['node_features'] = jax.random.normal(ks[0], (N_NODES, D_NODE), dtype=jnp.float32)
    inp['edge_features'] = jax.random.normal(ks[1], (N_EDGES, D_EDGE), dtype=jnp.float32)
    inp['global_features'] = jax.random.normal(ks[2], (1, D_GLOBAL), dtype=jnp.float32)
    inp['edge_index'] = jax.random.randint(ks[3], (2, N_EDGES), 0, N_NODES, dtype=jnp.int64 if jax.config.jax_enable_x64 else jnp.int32)
    # edge1: EdgeLinear(256, edge_features=16)
    inp['W_e1'] = _glorot(ks[4], (D_EDGE, 256)); inp['b_e1'] = jnp.zeros((256,), jnp.float32)
    # node1: NodeLinear(256, node_features=128, aggregation='avg') with incoming edge aggregation
    inp['W_n1'] = _glorot(ks[5], (D_NODE, 256)); inp['W_in1'] = _glorot(ks[6], (256, 256)); inp['b_n1'] = jnp.zeros((256,), jnp.float32)
    # edge2: EdgeLinear(128, edge_features=256, global_features=32)
    inp['W_e2'] = _glorot(ks[7], (256, 128)); inp['W_ge2'] = _glorot(ks[8], (D_GLOBAL, 128)); inp['b_e2'] = jnp.zeros((128,), jnp.float32)
    # node2: NodeLinear(128, node_features=256, global_features=32, aggregation='avg')
    inp['W_n2'] = _glorot(ks[9], (256, 128)); inp['W_in2'] = _glorot(ks[10], (128, 128)); inp['W_gn2'] = _glorot(ks[11], (D_GLOBAL, 128)); inp['b_n2'] = jnp.zeros((128,), jnp.float32)
    # global: GlobalLinear(64, node_features=128, edge_features=128, global_features=32, aggregation='avg')
    inp['W_gn'] = _glorot(ks[12], (128, HID)); inp['W_gedge'] = _glorot(ks[13], (128, HID)); inp['W_gg'] = _glorot(ks[14], (D_GLOBAL, HID)); inp['b_g'] = jnp.zeros((HID,), jnp.float32)
    # heads
    inp['W_mean'] = _glorot(ks[15], (HID, N_ACT)); inp['b_mean'] = jnp.zeros((N_ACT,), jnp.float32)
    inp['W_logstd'] = _glorot(ks[16], (HID, N_ACT)); inp['b_logstd'] = jnp.zeros((N_ACT,), jnp.float32)
    return inp


def _segment_mean(vals, seg_ids, num_segments):
    summed = jax.ops.segment_sum(vals, seg_ids, num_segments=num_segments)
    counts = jax.ops.segment_sum(jnp.ones((vals.shape[0],), vals.dtype), seg_ids, num_segments=num_segments)
    return summed / jnp.maximum(counts, 1.0)[:, None]


def reference(node_features, edge_features, global_features, edge_index,
              W_e1, b_e1, W_n1, W_in1, b_n1,
              W_e2, W_ge2, b_e2,
              W_n2, W_in2, W_gn2, b_n2,
              W_gn, W_gedge, W_gg, b_g,
              W_mean, b_mean, W_logstd, b_logstd):
    recv = edge_index[1]
    # edge1 + relu
    e1 = jax.nn.relu(edge_features @ W_e1 + b_e1)
    # node1 + relu (node linear + avg-aggregated incoming edge features)
    agg1 = _segment_mean(e1, recv, N_NODES)
    n1 = jax.nn.relu(node_features @ W_n1 + agg1 @ W_in1 + b_n1)
    # edge2 + relu (edge + broadcast global)
    e2 = jax.nn.relu(e1 @ W_e2 + global_features @ W_ge2 + b_e2)
    # node2 + relu
    agg2 = _segment_mean(e2, recv, N_NODES)
    n2 = jax.nn.relu(n1 @ W_n2 + agg2 @ W_in2 + global_features @ W_gn2 + b_n2)
    # global readout (avg over nodes and edges)
    u = jnp.mean(n2, axis=0, keepdims=True) @ W_gn + jnp.mean(e2, axis=0, keepdims=True) @ W_gedge + global_features @ W_gg + b_g
    g = jax.nn.relu(u)
    mean = g @ W_mean + b_mean
    log_std = jnp.clip(g @ W_logstd + b_logstd, -20.0, 2.0)
    return (mean, log_std)

if __name__ == "__main__":
    import jax
    _d = setup_inputs()
    print(jax.jit(kernel)(*tuple(_d.values())))

</pallas_src>

<mosaic_0001>
#map = affine_map<(d0, d1) -> (0, 0)>
#map1 = affine_map<(d0, d1) -> (0)>
#map2 = affine_map<(d0, d1) -> (0, 0, 0)>
module attributes {stable_mosaic.version = 14 : i64} {
  func.func @_sc_agg_body(%arg0: i32, %arg1: i32, %arg2: memref<327680x256xf32, #tpu.memory_space<hbm>>, %arg3: memref<327680x128xf32, #tpu.memory_space<hbm>>, %arg4: memref<2560x128xi32, #tpu.memory_space<hbm>>, %arg5: memref<10240x128xf32, #tpu.memory_space<hbm>>, %arg6: memref<10240xf32, #tpu.memory_space<hbm>>, %arg7: memref<128xf32, #tpu.memory_space<hbm>>, %arg8: memref<10240x256xf32, #tpu.memory_space<hbm>>, %arg9: memref<20480xf32, #tpu.memory_space<hbm>>, %arg10: memref<2x10240x128xf32, #tpu.memory_space<hbm>>, %arg11: memref<10240x128xf32, #tpu.memory_space<vmem_shared>>, %arg12: memref<10240xf32, #tpu.memory_space<vmem_shared>>, %arg13: memref<2x128x128xf32, #tpu.memory_space<vmem>>, %arg14: memref<80x128xi32, #tpu.memory_space<vmem>>, %arg15: memref<128xf32, #tpu.memory_space<vmem>>, %arg16: memref<!tpu.dma_semaphore, #tpu.memory_space<semaphore_mem>>, %arg17: memref<!tpu.dma_semaphore, #tpu.memory_space<semaphore_mem>>) attributes {dimension_semantics = [#tpu.dimension_semantics<core_parallel>, #tpu.dimension_semantics<subcore_parallel>], iteration_bounds = array<i64: 2, 16>, scalar_prefetch = 0 : i64, scratch_operands = 7 : i64, tpu.core_type = #tpu.core_type<sc_vector_subcore>, window_params = [{transform_indices = #map}, {transform_indices = #map}, {transform_indices = #map}, {transform_indices = #map}, {transform_indices = #map1}, {transform_indices = #map1}, {transform_indices = #map}, {transform_indices = #map1}, {transform_indices = #map2}]} {
    %mul3A = arith.constant 640 : i32
    %mul3A_0 = arith.muli %arg1, %mul3A : i32
    %mul3A_1 = arith.constant 128 : i32
    %mul3A_2 = arith.muli %arg0, %mul3A_1 : i32
    "tpu.region"() ({
      %run_scoped3A = tpu.sem_alloc : memref<!tpu.dma_semaphore, #tpu.memory_space<semaphore_mem>>
      %dma_start3A_112 = arith.constant 0 : i32
      %dma_start3A_113 = tpu.memref_slice %arg11[%mul3A_0, %dma_start3A_112] : memref<10240x128xf32, #tpu.memory_space<vmem_shared>> -> memref<640x128xf32, #tpu.memory_space<vmem_shared>>
      %dma_start3A_114 = arith.constant 0 : i32
      %dma_start3A_115 = tpu.memref_slice %arg5[%mul3A_0, %dma_start3A_114] : memref<10240x128xf32, #tpu.memory_space<hbm>> -> memref<640x128xf32, #tpu.memory_space<hbm>>
      tpu.enqueue_dma source(%dma_start3A_115 : memref<640x128xf32, #tpu.memory_space<hbm>>) target(%dma_start3A_113 : memref<640x128xf32, #tpu.memory_space<vmem_shared>>) target_semaphore(%run_scoped3A : memref<!tpu.dma_semaphore, #tpu.memory_space<semaphore_mem>>)
      %dma_wait3A = arith.constant 0 : i32
      %dma_wait3A_116 = tpu.memref_slice %arg11[%mul3A_0, %dma_wait3A] : memref<10240x128xf32, #tpu.memory_space<vmem_shared>> -> memref<640x128xf32, #tpu.memory_space<vmem_shared>>
      %dma_wait3A_117 = arith.constant 0 : i32
      %dma_wait3A_118 = tpu.memref_slice %arg5[%mul3A_0, %dma_wait3A_117] : memref<10240x128xf32, #tpu.memory_space<hbm>> -> memref<640x128xf32, #tpu.memory_space<hbm>>
      tpu.wait_dma2 semaphore(%run_scoped3A : memref<!tpu.dma_semaphore, #tpu.memory_space<semaphore_mem>>) src(%dma_wait3A_118 : memref<640x128xf32, #tpu.memory_space<hbm>>) dst(%dma_wait3A_116 : memref<640x128xf32, #tpu.memory_space<vmem_shared>>)
      tpu.yield
    }) : () -> ()
    "tpu.region"() ({
      %run_scoped3A = tpu.sem_alloc : memref<!tpu.dma_semaphore, #tpu.memory_space<semaphore_mem>>
      %dma_start3A_112 = tpu.memref_slice %arg12[%mul3A_0] : memref<10240xf32, #tpu.memory_space<vmem_shared>> -> memref<640xf32, #tpu.memory_space<vmem_shared>>
      %dma_start3A_113 = tpu.memref_slice %arg6[%mul3A_0] : memref<10240xf32, #tpu.memory_space<hbm>> -> memref<640xf32, #tpu.memory_space<hbm>>
      tpu.enqueue_dma source(%dma_start3A_113 : memref<640xf32, #tpu.memory_space<hbm>>) target(%dma_start3A_112 : memref<640xf32, #tpu.memory_space<vmem_shared>>) target_semaphore(%run_scoped3A : memref<!tpu.dma_semaphore, #tpu.memory_space<semaphore_mem>>)
      %dma_wait3A = tpu.memref_slice %arg12[%mul3A_0] : memref<10240xf32, #tpu.memory_space<vmem_shared>> -> memref<640xf32, #tpu.memory_space<vmem_shared>>
      %dma_wait3A_114 = tpu.memref_slice %arg6[%mul3A_0] : memref<10240xf32, #tpu.memory_space<hbm>> -> memref<640xf32, #tpu.memory_space<hbm>>
      tpu.wait_dma2 semaphore(%run_scoped3A : memref<!tpu.dma_semaphore, #tpu.memory_space<semaphore_mem>>) src(%dma_wait3A_114 : memref<640xf32, #tpu.memory_space<hbm>>) dst(%dma_wait3A : memref<640xf32, #tpu.memory_space<vmem_shared>>)
      tpu.yield
    }) : () -> ()
    "tpu.region"() ({
      %run_scoped3A = tpu.sem_alloc : memref<!tpu.dma_semaphore, #tpu.memory_space<semaphore_mem>>
      tpu.enqueue_dma source(%arg7 : memref<128xf32, #tpu.memory_space<hbm>>) target(%arg15 : memref<128xf32, #tpu.memory_space<vmem>>) target_semaphore(%run_scoped3A : memref<!tpu.dma_semaphore, #tpu.memory_space<semaphore_mem>>)
      tpu.wait_dma2 semaphore(%run_scoped3A : memref<!tpu.dma_semaphore, #tpu.memory_space<semaphore_mem>>) src(%arg7 : memref<128xf32, #tpu.memory_space<hbm>>) dst(%arg15 : memref<128xf32, #tpu.memory_space<vmem>>)
      tpu.yield
    }) : () -> ()
    %barrier3A = arith.constant 0 : index
    tpu.barrier barrier_id(%barrier3A)
    %mul3A_3 = arith.constant 160 : i32
    %mul3A_4 = arith.muli %arg1, %mul3A_3 : i32
    %add3A = arith.constant 0 : i32
    %add3A_5 = arith.addi %mul3A_4, %add3A : i32
    "tpu.region"() ({
      %run_scoped3A = tpu.sem_alloc : memref<!tpu.dma_semaphore, #tpu.memory_space<semaphore_mem>>
      %dma_start3A_112 = arith.constant 0 : i32
      %dma_start3A_113 = tpu.memref_slice %arg4[%add3A_5, %dma_start3A_112] : memref<2560x128xi32, #tpu.memory_space<hbm>> -> memref<80x128xi32, #tpu.memory_space<hbm>>
      %dma_start3A_114 = arith.constant 0 : i32
      %dma_start3A_115 = tpu.memref_slice %arg4[%add3A_5, %dma_start3A_114] : memref<2560x128xi32, #tpu.memory_space<hbm>> -> memref<80x128xi32, #tpu.memory_space<hbm>>
      tpu.enqueue_dma source(%dma_start3A_115 : memref<80x128xi32, #tpu.memory_space<hbm>>) target(%arg14 : memref<80x128xi32, #tpu.memory_space<vmem>>) target_semaphore(%run_scoped3A : memref<!tpu.dma_semaphore, #tpu.memory_space<semaphore_mem>>)
      %dma_wait3A = arith.constant 0 : i32
      %dma_wait3A_116 = tpu.memref_slice %arg4[%add3A_5, %dma_wait3A] : memref<2560x128xi32, #tpu.memory_space<hbm>> -> memref<80x128xi32, #tpu.memory_space<hbm>>
      %dma_wait3A_117 = arith.constant 0 : i32
      %dma_wait3A_118 = tpu.memref_slice %arg4[%add3A_5, %dma_wait3A_117] : memref<2560x128xi32, #tpu.memory_space<hbm>> -> memref<80x128xi32, #tpu.memory_space<hbm>>
      tpu.wait_dma2 semaphore(%run_scoped3A : memref<!tpu.dma_semaphore, #tpu.memory_space<semaphore_mem>>) src(%dma_wait3A_118 : memref<80x128xi32, #tpu.memory_space<hbm>>) dst(%arg14 : memref<80x128xi32, #tpu.memory_space<vmem>>)
      tpu.yield
    }) : () -> ()
    %add3A_6 = arith.constant 0 : i32
    %add3A_7 = arith.addi %add3A_5, %add3A_6 : i32
    %mul3A_8 = arith.constant 128 : i32
    %mul3A_9 = arith.muli %add3A_7, %mul3A_8 : i32
    %dma_start3A = arith.constant 0 : i32
    %dma_start3A_10 = arith.constant 0 : i32
    %dma_start3A_11 = arith.constant 0 : i32
    %dma_start3A_12 = tpu.memref_slice %arg13[%dma_start3A, %dma_start3A_10, %dma_start3A_11] : memref<2x128x128xf32, #tpu.memory_space<vmem>> -> memref<1x128x128xf32, #tpu.memory_space<vmem>>
    %dma_start3A_13 = tpu.memref_squeeze %dma_start3A_12 : memref<1x128x128xf32, #tpu.memory_space<vmem>> -> memref<128x128xf32, #tpu.memory_space<vmem>>
    %dma_start3A_14 = tpu.memref_slice %arg2[%mul3A_9, %mul3A_2] : memref<327680x256xf32, #tpu.memory_space<hbm>> -> memref<128x128xf32, #tpu.memory_space<hbm>>
    %dma_start3A_15 = arith.constant 0 : i32
    %dma_start3A_16 = arith.constant 0 : i32
    %dma_start3A_17 = tpu.memref_slice %arg13[%dma_start3A, %dma_start3A_15, %dma_start3A_16] : memref<2x128x128xf32, #tpu.memory_space<vmem>> -> memref<1x128x128xf32, #tpu.memory_space<vmem>>
    %dma_start3A_18 = tpu.memref_squeeze %dma_start3A_17 : memref<1x128x128xf32, #tpu.memory_space<vmem>> -> memref<128x128xf32, #tpu.memory_space<vmem>>
    %dma_start3A_19 = tpu.memref_slice %arg2[%mul3A_9, %mul3A_2] : memref<327680x256xf32, #tpu.memory_space<hbm>> -> memref<128x128xf32, #tpu.memory_space<hbm>>
    tpu.enqueue_dma source(%dma_start3A_19 : memref<128x128xf32, #tpu.memory_space<hbm>>) target(%dma_start3A_18 : memref<128x128xf32, #tpu.memory_space<vmem>>) target_semaphore(%arg16 : memref<!tpu.dma_semaphore, #tpu.memory_space<semaphore_mem>>)
    %scan3A = arith.constant 0 : i32
    %scan3A_20 = arith.constant 0 : i32
    %scan3A_21 = arith.constant 40 : i32
    %scan3A_22 = arith.addi %scan3A_20, %scan3A_21 : i32
    %scan3A_23 = arith.constant 1 : i32
    scf.for %scan3A_112 = %scan3A_20 to %scan3A_22 step %scan3A_23  : i32 {
      %mul3A_113 = arith.constant 2 : i32
      %mul3A_114 = arith.muli %mul3A_113, %scan3A_112 : i32
      %add3A_115 = arith.constant 1 : i32
      %add3A_116 = arith.addi %mul3A_114, %add3A_115 : i32
      %add3A_117 = arith.addi %add3A_5, %add3A_116 : i32
      %mul3A_118 = arith.constant 128 : i32
      %mul3A_119 = arith.muli %add3A_117, %mul3A_118 : i32
      %dma_start3A_120 = arith.constant 1 : i32
      %dma_start3A_121 = arith.constant 0 : i32
      %dma_start3A_122 = arith.constant 0 : i32
      %dma_start3A_123 = tpu.memref_slice %arg13[%dma_start3A_120, %dma_start3A_121, %dma_start3A_122] : memref<2x128x128xf32, #tpu.memory_space<vmem>> -> memref<1x128x128xf32, #tpu.memory_space<vmem>>
      %dma_start3A_124 = tpu.memref_squeeze %dma_start3A_123 : memref<1x128x128xf32, #tpu.memory_space<vmem>> -> memref<128x128xf32, #tpu.memory_space<vmem>>
      %dma_start3A_125 = tpu.memref_slice %arg2[%mul3A_119, %mul3A_2] : memref<327680x256xf32, #tpu.memory_space<hbm>> -> memref<128x128xf32, #tpu.memory_space<hbm>>
      %dma_start3A_126 = arith.constant 0 : i32
      %dma_start3A_127 = arith.constant 0 : i32
      %dma_start3A_128 = tpu.memref_slice %arg13[%dma_start3A_120, %dma_start3A_126, %dma_start3A_127] : memref<2x128x128xf32, #tpu.memory_space<vmem>> -> memref<1x128x128xf32, #tpu.memory_space<vmem>>
      %dma_start3A_129 = tpu.memref_squeeze %dma_start3A_128 : memref<1x128x128xf32, #tpu.memory_space<vmem>> -> memref<128x128xf32, #tpu.memory_space<vmem>>
      %dma_start3A_130 = tpu.memref_slice %arg2[%mul3A_119, %mul3A_2] : memref<327680x256xf32, #tpu.memory_space<hbm>> -> memref<128x128xf32, #tpu.memory_space<hbm>>
      tpu.enqueue_dma source(%dma_start3A_130 : memref<128x128xf32, #tpu.memory_space<hbm>>) target(%dma_start3A_129 : memref<128x128xf32, #tpu.memory_space<vmem>>) target_semaphore(%arg17 : memref<!tpu.dma_semaphore, #tpu.memory_space<semaphore_mem>>)
      %dma_wait3A = arith.constant 0 : i32
      %dma_wait3A_131 = arith.constant 0 : i32
      %dma_wait3A_132 = arith.constant 0 : i32
      %dma_wait3A_133 = tpu.memref_slice %arg13[%dma_wait3A, %dma_wait3A_131, %dma_wait3A_132] : memref<2x128x128xf32, #tpu.memory_space<vmem>> -> memref<1x128x128xf32, #tpu.memory_space<vmem>>
      %dma_wait3A_134 = tpu.memref_squeeze %dma_wait3A_133 : memref<1x128x128xf32, #tpu.memory_space<vmem>> -> memref<128x128xf32, #tpu.memory_space<vmem>>
      %dma_wait3A_135 = arith.constant 0 : i32
      %dma_wait3A_136 = tpu.memref_slice %arg2[%dma_wait3A_135, %mul3A_2] : memref<327680x256xf32, #tpu.memory_space<hbm>> -> memref<128x128xf32, #tpu.memory_space<hbm>>
      %dma_wait3A_137 = arith.constant 0 : i32
      %dma_wait3A_138 = arith.constant 0 : i32
      %dma_wait3A_139 = tpu.memref_slice %arg13[%dma_wait3A, %dma_wait3A_137, %dma_wait3A_138] : memref<2x128x128xf32, #tpu.memory_space<vmem>> -> memref<1x128x128xf32, #tpu.memory_space<vmem>>
      %dma_wait3A_140 = tpu.memref_squeeze %dma_wait3A_139 : memref<1x128x128xf32, #tpu.memory_space<vmem>> -> memref<128x128xf32, #tpu.memory_space<vmem>>
      %dma_wait3A_141 = arith.constant 0 : i32
      %dma_wait3A_142 = tpu.memref_slice %arg2[%dma_wait3A_141, %mul3A_2] : memref<327680x256xf32, #tpu.memory_space<hbm>> -> memref<128x128xf32, #tpu.memory_space<hbm>>
      tpu.wait_dma2 semaphore(%arg16 : memref<!tpu.dma_semaphore, #tpu.memory_space<semaphore_mem>>) src(%dma_wait3A_142 : memref<128x128xf32, #tpu.memory_space<hbm>>) dst(%dma_wait3A_140 : memref<128x128xf32, #tpu.memory_space<vmem>>)
      %run_scoped3A = arith.constant 0 : i32
      "tpu.region"() ({
        %run_scoped3A_161 = tpu.sem_alloc : memref<!tpu.dma_semaphore, #tpu.memory_space<semaphore_mem>>
        %dma_start3A_162 = arith.constant 0 : i32
        %dma_start3A_163 = arith.constant 0 : i32
        %dma_start3A_164 = tpu.memref_slice %arg13[%run_scoped3A, %dma_start3A_162, %dma_start3A_163] : memref<2x128x128xf32, #tpu.memory_space<vmem>> -> memref<1x128x128xf32, #tpu.memory_space<vmem>>
        %dma_start3A_165 = tpu.memref_squeeze %dma_start3A_164 : memref<1x128x128xf32, #tpu.memory_space<vmem>> -> memref<128x128xf32, #tpu.memory_space<vmem>>
        %dma_start3A_166 = arith.constant 0 : i32
        %dma_start3A_167 = tpu.memref_slice %arg14[%mul3A_114, %dma_start3A_166] : memref<80x128xi32, #tpu.memory_space<vmem>> -> memref<1x128xi32, #tpu.memory_space<vmem>>
        %dma_start3A_168 = tpu.memref_squeeze %dma_start3A_167 : memref<1x128xi32, #tpu.memory_space<vmem>> -> memref<128xi32, #tpu.memory_space<vmem>>
        %dma_start3A_169 = arith.constant 0 : i32
        %dma_start3A_170 = arith.constant 0 : i32
        %dma_start3A_171 = tpu.memref_slice %arg11[%dma_start3A_169, %dma_start3A_170] : memref<10240x128xf32, #tpu.memory_space<vmem_shared>> -> memref<10240x128xf32, #tpu.memory_space<vmem_shared>>
        tpu.enqueue_indirect_dma source(%dma_start3A_165 : memref<128x128xf32, #tpu.memory_space<vmem>>) target(%dma_start3A_171 : memref<10240x128xf32, #tpu.memory_space<vmem_shared>>) offsets(%dma_start3A_168 : memref<128xi32, #tpu.memory_space<vmem>>) semaphore(%run_scoped3A_161 : memref<!tpu.dma_semaphore, #tpu.memory_space<semaphore_mem>>) {add = true}
        %dma_wait3A_172 = arith.constant 0 : i32
        %dma_wait3A_173 = arith.constant 0 : i32
        %dma_wait3A_174 = tpu.memref_slice %arg13[%run_scoped3A, %dma_wait3A_172, %dma_wait3A_173] : memref<2x128x128xf32, #tpu.memory_space<vmem>> -> memref<1x128x128xf32, #tpu.memory_space<vmem>>
        %dma_wait3A_175 = tpu.memref_squeeze %dma_wait3A_174 : memref<1x128x128xf32, #tpu.memory_space<vmem>> -> memref<128x128xf32, #tpu.memory_space<vmem>>
        %dma_wait3A_176 = arith.constant 0 : i32
        %dma_wait3A_177 = tpu.memref_slice %arg14[%mul3A_114, %dma_wait3A_176] : memref<80x128xi32, #tpu.memory_space<vmem>> -> memref<1x128xi32, #tpu.memory_space<vmem>>
        %dma_wait3A_178 = tpu.memref_squeeze %dma_wait3A_177 : memref<1x128xi32, #tpu.memory_space<vmem>> -> memref<128xi32, #tpu.memory_space<vmem>>
        %dma_wait3A_179 = arith.constant 0 : i32
        %dma_wait3A_180 = arith.constant 0 : i32
        %dma_wait3A_181 = tpu.memref_slice %arg11[%dma_wait3A_179, %dma_wait3A_180] : memref<10240x128xf32, #tpu.memory_space<vmem_shared>> -> memref<10240x128xf32, #tpu.memory_space<vmem_shared>>
        tpu.wait_indirect_dma semaphore(%run_scoped3A_161 : memref<!tpu.dma_semaphore, #tpu.memory_space<semaphore_mem>>) src(%dma_wait3A_175 : memref<128x128xf32, #tpu.memory_space<vmem>>) dst(%dma_wait3A_181 : memref<10240x128xf32, #tpu.memory_space<vmem_shared>>)
        tpu.yield
      }) : () -> ()
      %add3A_143 = arith.constant 2 : i32
      %add3A_144 = arith.addi %mul3A_114, %add3A_143 : i32
      %lt3A = arith.constant 80 : i32
      %lt3A_145 = arith.cmpi slt, %add3A_144, %lt3A : i32
      %convert_element_type3A = arith.extui %lt3A_145 : i1 to i32
      %cond3A = arith.constant 0 : i32
      %cond3A_146 = arith.cmpi ne, %convert_element_type3A, %cond3A : i32
      scf.if %cond3A_146 {
        %add3A_161 = arith.constant 2 : i32
        %add3A_162 = arith.addi %mul3A_114, %add3A_161 : i32
        %add3A_163 = arith.addi %add3A_5, %add3A_162 : i32
        %mul3A_164 = arith.constant 128 : i32
        %mul3A_165 = arith.muli %add3A_163, %mul3A_164 : i32
        %dma_start3A_166 = arith.constant 0 : i32
        %dma_start3A_167 = arith.constant 0 : i32
        %dma_start3A_168 = arith.constant 0 : i32
        %dma_start3A_169 = tpu.memref_slice %arg13[%dma_start3A_166, %dma_start3A_167, %dma_start3A_168] : memref<2x128x128xf32, #tpu.memory_space<vmem>> -> memref<1x128x128xf32, #tpu.memory_space<vmem>>
        %dma_start3A_170 = tpu.memref_squeeze %dma_start3A_169 : memref<1x128x128xf32, #tpu.memory_space<vmem>> -> memref<128x128xf32, #tpu.memory_space<vmem>>
        %dma_start3A_171 = tpu.memref_slice %arg2[%mul3A_165, %mul3A_2] : memref<327680x256xf32, #tpu.memory_space<hbm>> -> memref<128x128xf32, #tpu.memory_space<hbm>>
        %dma_start3A_172 = arith.constant 0 : i32
        %dma_start3A_173 = arith.constant 0 : i32
        %dma_start3A_174 = tpu.memref_slice %arg13[%dma_start3A_166, %dma_start3A_172, %dma_start3A_173] : memref<2x128x128xf32, #tpu.memory_space<vmem>> -> memref<1x128x128xf32, #tpu.memory_space<vmem>>
        %dma_start3A_175 = tpu.memref_squeeze %dma_start3A_174 : memref<1x128x128xf32, #tpu.memory_space<vmem>> -> memref<128x128xf32, #tpu.memory_space<vmem>>
        %dma_start3A_176 = tpu.memref_slice %arg2[%mul3A_165, %mul3A_2] : memref<327680x256xf32, #tpu.memory_space<hbm>> -> memref<128x128xf32, #tpu.memory_space<hbm>>
        tpu.enqueue_dma source(%dma_start3A_176 : memref<128x128xf32, #tpu.memory_space<hbm>>) target(%dma_start3A_175 : memref<128x128xf32, #tpu.memory_space<vmem>>) target_semaphore(%arg16 : memref<!tpu.dma_semaphore, #tpu.memory_space<semaphore_mem>>)
      } else {
      }
      %dma_wait3A_147 = arith.constant 1 : i32
      %dma_wait3A_148 = arith.constant 0 : i32
      %dma_wait3A_149 = arith.constant 0 : i32
      %dma_wait3A_150 = tpu.memref_slice %arg13[%dma_wait3A_147, %dma_wait3A_148, %dma_wait3A_149] : memref<2x128x128xf32, #tpu.memory_space<vmem>> -> memref<1x128x128xf32, #tpu.memory_space<vmem>>
      %dma_wait3A_151 = tpu.memref_squeeze %dma_wait3A_150 : memref<1x128x128xf32, #tpu.memory_space<vmem>> -> memref<128x128xf32, #tpu.memory_space<vmem>>
      %dma_wait3A_152 = arith.constant 0 : i32
      %dma_wait3A_153 = tpu.memref_slice %arg2[%dma_wait3A_152, %mul3A_2] : memref<327680x256xf32, #tpu.memory_space<hbm>> -> memref<128x128xf32, #tpu.memory_space<hbm>>
      %dma_wait3A_154 = arith.constant 0 : i32
      %dma_wait3A_155 = arith.constant 0 : i32
      %dma_wait3A_156 = tpu.memref_slice %arg13[%dma_wait3A_147, %dma_wait3A_154, %dma_wait3A_155] : memref<2x128x128xf32, #tpu.memory_space<vmem>> -> memref<1x128x128xf32, #tpu.memory_space<vmem>>
      %dma_wait3A_157 = tpu.memref_squeeze %dma_wait3A_156 : memref<1x128x128xf32, #tpu.memory_space<vmem>> -> memref<128x128xf32, #tpu.memory_space<vmem>>
      %dma_wait3A_158 = arith.constant 0 : i32
      %dma_wait3A_159 = tpu.memref_slice %arg2[%dma_wait3A_158, %mul3A_2] : memref<327680x256xf32, #tpu.memory_space<hbm>> -> memref<128x128xf32, #tpu.memory_space<hbm>>
      tpu.wait_dma2 semaphore(%arg17 : memref<!tpu.dma_semaphore, #tpu.memory_space<semaphore_mem>>) src(%dma_wait3A_159 : memref<128x128xf32, #tpu.memory_space<hbm>>) dst(%dma_wait3A_157 : memref<128x128xf32, #tpu.memory_space<vmem>>)
      %run_scoped3A_160 = arith.constant 1 : i32
      "tpu.region"() ({
        %run_scoped3A_161 = tpu.sem_alloc : memref<!tpu.dma_semaphore, #tpu.memory_space<semaphore_mem>>
        %dma_start3A_162 = arith.constant 0 : i32
        %dma_start3A_163 = arith.constant 0 : i32
        %dma_start3A_164 = tpu.memref_slice %arg13[%run_scoped3A_160, %dma_start3A_162, %dma_start3A_163] : memref<2x128x128xf32, #tpu.memory_space<vmem>> -> memref<1x128x128xf32, #tpu.memory_space<vmem>>
        %dma_start3A_165 = tpu.memref_squeeze %dma_start3A_164 : memref<1x128x128xf32, #tpu.memory_space<vmem>> -> memref<128x128xf32, #tpu.memory_space<vmem>>
        %dma_start3A_166 = arith.constant 0 : i32
        %dma_start3A_167 = tpu.memref_slice %arg14[%add3A_116, %dma_start3A_166] : memref<80x128xi32, #tpu.memory_space<vmem>> -> memref<1x128xi32, #tpu.memory_space<vmem>>
        %dma_start3A_168 = tpu.memref_squeeze %dma_start3A_167 : memref<1x128xi32, #tpu.memory_space<vmem>> -> memref<128xi32, #tpu.memory_space<vmem>>
        %dma_start3A_169 = arith.constant 0 : i32
        %dma_start3A_170 = arith.constant 0 : i32
        %dma_start3A_171 = tpu.memref_slice %arg11[%dma_start3A_169, %dma_start3A_170] : memref<10240x128xf32, #tpu.memory_space<vmem_shared>> -> memref<10240x128xf32, #tpu.memory_space<vmem_shared>>
        tpu.enqueue_indirect_dma source(%dma_start3A_165 : memref<128x128xf32, #tpu.memory_space<vmem>>) target(%dma_start3A_171 : memref<10240x128xf32, #tpu.memory_space<vmem_shared>>) offsets(%dma_start3A_168 : memref<128xi32, #tpu.memory_space<vmem>>) semaphore(%run_scoped3A_161 : memref<!tpu.dma_semaphore, #tpu.memory_space<semaphore_mem>>) {add = true}
        %dma_wait3A_172 = arith.constant 0 : i32
        %dma_wait3A_173 = arith.constant 0 : i32
        %dma_wait3A_174 = tpu.memref_slice %arg13[%run_scoped3A_160, %dma_wait3A_172, %dma_wait3A_173] : memref<2x128x128xf32, #tpu.memory_space<vmem>> -> memref<1x128x128xf32, #tpu.memory_space<vmem>>
        %dma_wait3A_175 = tpu.memref_squeeze %dma_wait3A_174 : memref<1x128x128xf32, #tpu.memory_space<vmem>> -> memref<128x128xf32, #tpu.memory_space<vmem>>
        %dma_wait3A_176 = arith.constant 0 : i32
        %dma_wait3A_177 = tpu.memref_slice %arg14[%add3A_116, %dma_wait3A_176] : memref<80x128xi32, #tpu.memory_space<vmem>> -> memref<1x128xi32, #tpu.memory_space<vmem>>
        %dma_wait3A_178 = tpu.memref_squeeze %dma_wait3A_177 : memref<1x128xi32, #tpu.memory_space<vmem>> -> memref<128xi32, #tpu.memory_space<vmem>>
        %dma_wait3A_179 = arith.constant 0 : i32
        %dma_wait3A_180 = arith.constant 0 : i32
        %dma_wait3A_181 = tpu.memref_slice %arg11[%dma_wait3A_179, %dma_wait3A_180] : memref<10240x128xf32, #tpu.memory_space<vmem_shared>> -> memref<10240x128xf32, #tpu.memory_space<vmem_shared>>
        tpu.wait_indirect_dma semaphore(%run_scoped3A_161 : memref<!tpu.dma_semaphore, #tpu.memory_space<semaphore_mem>>) src(%dma_wait3A_175 : memref<128x128xf32, #tpu.memory_space<vmem>>) dst(%dma_wait3A_181 : memref<10240x128xf32, #tpu.memory_space<vmem_shared>>)
        tpu.yield
      }) : () -> ()
    }
    %scan3A_24 = arith.constant 40 : i32
    %mul3A_25 = arith.constant 160 : i32
    %mul3A_26 = arith.muli %arg1, %mul3A_25 : i32
    %add3A_27 = arith.constant 80 : i32
    %add3A_28 = arith.addi %mul3A_26, %add3A_27 : i32
    "tpu.region"() ({
      %run_scoped3A = tpu.sem_alloc : memref<!tpu.dma_semaphore, #tpu.memory_space<semaphore_mem>>
      %dma_start3A_112 = arith.constant 0 : i32
      %dma_start3A_113 = tpu.memref_slice %arg4[%add3A_28, %dma_start3A_112] : memref<2560x128xi32, #tpu.memory_space<hbm>> -> memref<80x128xi32, #tpu.memory_space<hbm>>
      %dma_start3A_114 = arith.constant 0 : i32
      %dma_start3A_115 = tpu.memref_slice %arg4[%add3A_28, %dma_start3A_114] : memref<2560x128xi32, #tpu.memory_space<hbm>> -> memref<80x128xi32, #tpu.memory_space<hbm>>
      tpu.enqueue_dma source(%dma_start3A_115 : memref<80x128xi32, #tpu.memory_space<hbm>>) target(%arg14 : memref<80x128xi32, #tpu.memory_space<vmem>>) target_semaphore(%run_scoped3A : memref<!tpu.dma_semaphore, #tpu.memory_space<semaphore_mem>>)
      %dma_wait3A = arith.constant 0 : i32
      %dma_wait3A_116 = tpu.memref_slice %arg4[%add3A_28, %dma_wait3A] : memref<2560x128xi32, #tpu.memory_space<hbm>> -> memref<80x128xi32, #tpu.memory_space<hbm>>
      %dma_wait3A_117 = arith.constant 0 : i32
      %dma_wait3A_118 = tpu.memref_slice %arg4[%add3A_28, %dma_wait3A_117] : memref<2560x128xi32, #tpu.memory_space<hbm>> -> memref<80x128xi32, #tpu.memory_space<hbm>>
      tpu.wait_dma2 semaphore(%run_scoped3A : memref<!tpu.dma_semaphore, #tpu.memory_space<semaphore_mem>>) src(%dma_wait3A_118 : memref<80x128xi32, #tpu.memory_space<hbm>>) dst(%arg14 : memref<80x128xi32, #tpu.memory_space<vmem>>)
      tpu.yield
    }) : () -> ()
    %add3A_29 = arith.constant 0 : i32
    %add3A_30 = arith.addi %add3A_28, %add3A_29 : i32
    %mul3A_31 = arith.constant 128 : i32
    %mul3A_32 = arith.muli %add3A_30, %mul3A_31 : i32
    %dma_start3A_33 = arith.constant 0 : i32
    %dma_start3A_34 = arith.constant 0 : i32
    %dma_start3A_35 = arith.constant 0 : i32
    %dma_start3A_36 = tpu.memref_slice %arg13[%dma_start3A_33, %dma_start3A_34, %dma_start3A_35] : memref<2x128x128xf32, #tpu.memory_space<vmem>> -> memref<1x128x128xf32, #tpu.memory_space<vmem>>
    %dma_start3A_37 = tpu.memref_squeeze %dma_start3A_36 : memref<1x128x128xf32, #tpu.memory_space<vmem>> -> memref<128x128xf32, #tpu.memory_space<vmem>>
    %dma_start3A_38 = tpu.memref_slice %arg2[%mul3A_32, %mul3A_2] : memref<327680x256xf32, #tpu.memory_space<hbm>> -> memref<128x128xf32, #tpu.memory_space<hbm>>
    %dma_start3A_39 = arith.constant 0 : i32
    %dma_start3A_40 = arith.constant 0 : i32
    %dma_start3A_41 = tpu.memref_slice %arg13[%dma_start3A_33, %dma_start3A_39, %dma_start3A_40] : memref<2x128x128xf32, #tpu.memory_space<vmem>> -> memref<1x128x128xf32, #tpu.memory_space<vmem>>
    %dma_start3A_42 = tpu.memref_squeeze %dma_start3A_41 : memref<1x128x128xf32, #tpu.memory_space<vmem>> -> memref<128x128xf32, #tpu.memory_space<vmem>>
    %dma_start3A_43 = tpu.memref_slice %arg2[%mul3A_32, %mul3A_2] : memref<327680x256xf32, #tpu.memory_space<hbm>> -> memref<128x128xf32, #tpu.memory_space<hbm>>
    tpu.enqueue_dma source(%dma_start3A_43 : memref<128x128xf32, #tpu.memory_space<hbm>>) target(%dma_start3A_42 : memref<128x128xf32, #tpu.memory_space<vmem>>) target_semaphore(%arg16 : memref<!tpu.dma_semaphore, #tpu.memory_space<semaphore_mem>>)
    %scan3A_44 = arith.constant 0 : i32
    %scan3A_45 = arith.constant 0 : i32
    %scan3A_46 = arith.constant 40 : i32
    %scan3A_47 = arith.addi %scan3A_45, %scan3A_46 : i32
    %scan3A_48 = arith.constant 1 : i32
    scf.for %scan3A_112 = %scan3A_45 to %scan3A_47 step %scan3A_48  : i32 {
      %mul3A_113 = arith.constant 2 : i32
      %mul3A_114 = arith.muli %mul3A_113, %scan3A_112 : i32
      %add3A_115 = arith.constant 1 : i32
      %add3A_116 = arith.addi %mul3A_114, %add3A_115 : i32
      %add3A_117 = arith.addi %add3A_28, %add3A_116 : i32
      %mul3A_118 = arith.constant 128 : i32
      %mul3A_119 = arith.muli %add3A_117, %mul3A_118 : i32
      %dma_start3A_120 = arith.constant 1 : i32
      %dma_start3A_121 = arith.constant 0 : i32
      %dma_start3A_122 = arith.constant 0 : i32
      %dma_start3A_123 = tpu.memref_slice %arg13[%dma_start3A_120, %dma_start3A_121, %dma_start3A_122] : memref<2x128x128xf32, #tpu.memory_space<vmem>> -> memref<1x128x128xf32, #tpu.memory_space<vmem>>
      %dma_start3A_124 = tpu.memref_squeeze %dma_start3A_123 : memref<1x128x128xf32, #tpu.memory_space<vmem>> -> memref<128x128xf32, #tpu.memory_space<vmem>>
      %dma_start3A_125 = tpu.memref_slice %arg2[%mul3A_119, %mul3A_2] : memref<327680x256xf32, #tpu.memory_space<hbm>> -> memref<128x128xf32, #tpu.memory_space<hbm>>
      %dma_start3A_126 = arith.constant 0 : i32
      %dma_start3A_127 = arith.constant 0 : i32
      %dma_start3A_128 = tpu.memref_slice %arg13[%dma_start3A_120, %dma_start3A_126, %dma_start3A_127] : memref<2x128x128xf32, #tpu.memory_space<vmem>> -> memref<1x128x128xf32, #tpu.memory_space<vmem>>
      %dma_start3A_129 = tpu.memref_squeeze %dma_start3A_128 : memref<1x128x128xf32, #tpu.memory_space<vmem>> -> memref<128x128xf32, #tpu.memory_space<vmem>>
      %dma_start3A_130 = tpu.memref_slice %arg2[%mul3A_119, %mul3A_2] : memref<327680x256xf32, #tpu.memory_space<hbm>> -> memref<128x128xf32, #tpu.memory_space<hbm>>
      tpu.enqueue_dma source(%dma_start3A_130 : memref<128x128xf32, #tpu.memory_space<hbm>>) target(%dma_start3A_129 : memref<128x128xf32, #tpu.memory_space<vmem>>) target_semaphore(%arg17 : memref<!tpu.dma_semaphore, #tpu.memory_space<semaphore_mem>>)
      %dma_wait3A = arith.constant 0 : i32
      %dma_wait3A_131 = arith.constant 0 : i32
      %dma_wait3A_132 = arith.constant 0 : i32
      %dma_wait3A_133 = tpu.memref_slice %arg13[%dma_wait3A, %dma_wait3A_131, %dma_wait3A_132] : memref<2x128x128xf32, #tpu.memory_space<vmem>> -> memref<1x128x128xf32, #tpu.memory_space<vmem>>
      %dma_wait3A_134 = tpu.memref_squeeze %dma_wait3A_133 : memref<1x128x128xf32, #tpu.memory_space<vmem>> -> memref<128x128xf32, #tpu.memory_space<vmem>>
      %dma_wait3A_135 = arith.constant 0 : i32
      %dma_wait3A_136 = tpu.memref_slice %arg2[%dma_wait3A_135, %mul3A_2] : memref<327680x256xf32, #tpu.memory_space<hbm>> -> memref<128x128xf32, #tpu.memory_space<hbm>>
      %dma_wait3A_137 = arith.constant 0 : i32
      %dma_wait3A_138 = arith.constant 0 : i32
      %dma_wait3A_139 = tpu.memref_slice %arg13[%dma_wait3A, %dma_wait3A_137, %dma_wait3A_138] : memref<2x128x128xf32, #tpu.memory_space<vmem>> -> memref<1x128x128xf32, #tpu.memory_space<vmem>>
      %dma_wait3A_140 = tpu.memref_squeeze %dma_wait3A_139 : memref<1x128x128xf32, #tpu.memory_space<vmem>> -> memref<128x128xf32, #tpu.memory_space<vmem>>
      %dma_wait3A_141 = arith.constant 0 : i32
      %dma_wait3A_142 = tpu.memref_slice %arg2[%dma_wait3A_141, %mul3A_2] : memref<327680x256xf32, #tpu.memory_space<hbm>> -> memref<128x128xf32, #tpu.memory_space<hbm>>
      tpu.wait_dma2 semaphore(%arg16 : memref<!tpu.dma_semaphore, #tpu.memory_space<semaphore_mem>>) src(%dma_wait3A_142 : memref<128x128xf32, #tpu.memory_space<hbm>>) dst(%dma_wait3A_140 : memref<128x128xf32, #tpu.memory_space<vmem>>)
      %run_scoped3A = arith.constant 0 : i32
      "tpu.region"() ({
        %run_scoped3A_161 = tpu.sem_alloc : memref<!tpu.dma_semaphore, #tpu.memory_space<semaphore_mem>>
        %dma_start3A_162 = arith.constant 0 : i32
        %dma_start3A_163 = arith.constant 0 : i32
        %dma_start3A_164 = tpu.memref_slice %arg13[%run_scoped3A, %dma_start3A_162, %dma_start3A_163] : memref<2x128x128xf32, #tpu.memory_space<vmem>> -> memref<1x128x128xf32, #tpu.memory_space<vmem>>
        %dma_start3A_165 = tpu.memref_squeeze %dma_start3A_164 : memref<1x128x128xf32, #tpu.memory_space<vmem>> -> memref<128x128xf32, #tpu.memory_space<vmem>>
        %dma_start3A_166 = arith.constant 0 : i32
        %dma_start3A_167 = tpu.memref_slice %arg14[%mul3A_114, %dma_start3A_166] : memref<80x128xi32, #tpu.memory_space<vmem>> -> memref<1x128xi32, #tpu.memory_space<vmem>>
        %dma_start3A_168 = tpu.memref_squeeze %dma_start3A_167 : memref<1x128xi32, #tpu.memory_space<vmem>> -> memref<128xi32, #tpu.memory_space<vmem>>
        %dma_start3A_169 = arith.constant 0 : i32
        %dma_start3A_170 = arith.constant 0 : i32
        %dma_start3A_171 = tpu.memref_slice %arg11[%dma_start3A_169, %dma_start3A_170] : memref<10240x128xf32, #tpu.memory_space<vmem_shared>> -> memref<10240x128xf32, #tpu.memory_space<vmem_shared>>
        tpu.enqueue_indirect_dma source(%dma_start3A_165 : memref<128x128xf32, #tpu.memory_space<vmem>>) target(%dma_start3A_171 : memref<10240x128xf32, #tpu.memory_space<vmem_shared>>) offsets(%dma_start3A_168 : memref<128xi32, #tpu.memory_space<vmem>>) semaphore(%run_scoped3A_161 : memref<!tpu.dma_semaphore, #tpu.memory_space<semaphore_mem>>) {add = true}
        %dma_wait3A_172 = arith.constant 0 : i32
        %dma_wait3A_173 = arith.constant 0 : i32
        %dma_wait3A_174 = tpu.memref_slice %arg13[%run_scoped3A, %dma_wait3A_172, %dma_wait3A_173] : memref<2x128x128xf32, #tpu.memory_space<vmem>> -> memref<1x128x128xf32, #tpu.memory_space<vmem>>
        %dma_wait3A_175 = tpu.memref_squeeze %dma_wait3A_174 : memref<1x128x128xf32, #tpu.memory_space<vmem>> -> memref<128x128xf32, #tpu.memory_space<vmem>>
        %dma_wait3A_176 = arith.constant 0 : i32
        %dma_wait3A_177 = tpu.memref_slice %arg14[%mul3A_114, %dma_wait3A_176] : memref<80x128xi32, #tpu.memory_space<vmem>> -> memref<1x128xi32, #tpu.memory_space<vmem>>
        %dma_wait3A_178 = tpu.memref_squeeze %dma_wait3A_177 : memref<1x128xi32, #tpu.memory_space<vmem>> -> memref<128xi32, #tpu.memory_space<vmem>>
        %dma_wait3A_179 = arith.constant 0 : i32
        %dma_wait3A_180 = arith.constant 0 : i32
        %dma_wait3A_181 = tpu.memref_slice %arg11[%dma_wait3A_179, %dma_wait3A_180] : memref<10240x128xf32, #tpu.memory_space<vmem_shared>> -> memref<10240x128xf32, #tpu.memory_space<vmem_shared>>
        tpu.wait_indirect_dma semaphore(%run_scoped3A_161 : memref<!tpu.dma_semaphore, #tpu.memory_space<semaphore_mem>>) src(%dma_wait3A_175 : memref<128x128xf32, #tpu.memory_space<vmem>>) dst(%dma_wait3A_181 : memref<10240x128xf32, #tpu.memory_space<vmem_shared>>)
        tpu.yield
      }) : () -> ()
      %add3A_143 = arith.constant 2 : i32
      %add3A_144 = arith.addi %mul3A_114, %add3A_143 : i32
      %lt3A = arith.constant 80 : i32
      %lt3A_145 = arith.cmpi slt, %add3A_144, %lt3A : i32
      %convert_element_type3A = arith.extui %lt3A_145 : i1 to i32
      %cond3A = arith.constant 0 : i32
      %cond3A_146 = arith.cmpi ne, %convert_element_type3A, %cond3A : i32
      scf.if %cond3A_146 {
        %add3A_161 = arith.constant 2 : i32
        %add3A_162 = arith.addi %mul3A_114, %add3A_161 : i32
        %add3A_163 = arith.addi %add3A_28, %add3A_162 : i32
        %mul3A_164 = arith.constant 128 : i32
        %mul3A_165 = arith.muli %add3A_163, %mul3A_164 : i32
        %dma_start3A_166 = arith.constant 0 : i32
        %dma_start3A_167 = arith.constant 0 : i32
        %dma_start3A_168 = arith.constant 0 : i32
        %dma_start3A_169 = tpu.memref_slice %arg13[%dma_start3A_166, %dma_start3A_167, %dma_start3A_168] : memref<2x128x128xf32, #tpu.memory_space<vmem>> -> memref<1x128x128xf32, #tpu.memory_space<vmem>>
        %dma_start3A_170 = tpu.memref_squeeze %dma_start3A_169 : memref<1x128x128xf32, #tpu.memory_space<vmem>> -> memref<128x128xf32, #tpu.memory_space<vmem>>
        %dma_start3A_171 = tpu.memref_slice %arg2[%mul3A_165, %mul3A_2] : memref<327680x256xf32, #tpu.memory_space<hbm>> -> memref<128x128xf32, #tpu.memory_space<hbm>>
        %dma_start3A_172 = arith.constant 0 : i32
        %dma_start3A_173 = arith.constant 0 : i32
        %dma_start3A_174 = tpu.memref_slice %arg13[%dma_start3A_166, %dma_start3A_172, %dma_start3A_173] : memref<2x128x128xf32, #tpu.memory_space<vmem>> -> memref<1x128x128xf32, #tpu.memory_space<vmem>>
        %dma_start3A_175 = tpu.memref_squeeze %dma_start3A_174 : memref<1x128x128xf32, #tpu.memory_space<vmem>> -> memref<128x128xf32, #tpu.memory_space<vmem>>
        %dma_start3A_176 = tpu.memref_slice %arg2[%mul3A_165, %mul3A_2] : memref<327680x256xf32, #tpu.memory_space<hbm>> -> memref<128x128xf32, #tpu.memory_space<hbm>>
        tpu.enqueue_dma source(%dma_start3A_176 : memref<128x128xf32, #tpu.memory_space<hbm>>) target(%dma_start3A_175 : memref<128x128xf32, #tpu.memory_space<vmem>>) target_semaphore(%arg16 : memref<!tpu.dma_semaphore, #tpu.memory_space<semaphore_mem>>)
      } else {
      }
      %dma_wait3A_147 = arith.constant 1 : i32
      %dma_wait3A_148 = arith.constant 0 : i32
      %dma_wait3A_149 = arith.constant 0 : i32
      %dma_wait3A_150 = tpu.memref_slice %arg13[%dma_wait3A_147, %dma_wait3A_148, %dma_wait3A_149] : memref<2x128x128xf32, #tpu.memory_space<vmem>> -> memref<1x128x128xf32, #tpu.memory_space<vmem>>
      %dma_wait3A_151 = tpu.memref_squeeze %dma_wait3A_150 : memref<1x128x128xf32, #tpu.memory_space<vmem>> -> memref<128x128xf32, #tpu.memory_space<vmem>>
      %dma_wait3A_152 = arith.constant 0 : i32
      %dma_wait3A_153 = tpu.memref_slice %arg2[%dma_wait3A_152, %mul3A_2] : memref<327680x256xf32, #tpu.memory_space<hbm>> -> memref<128x128xf32, #tpu.memory_space<hbm>>
      %dma_wait3A_154 = arith.constant 0 : i32
      %dma_wait3A_155 = arith.constant 0 : i32
      %dma_wait3A_156 = tpu.memref_slice %arg13[%dma_wait3A_147, %dma_wait3A_154, %dma_wait3A_155] : memref<2x128x128xf32, #tpu.memory_space<vmem>> -> memref<1x128x128xf32, #tpu.memory_space<vmem>>
      %dma_wait3A_157 = tpu.memref_squeeze %dma_wait3A_156 : memref<1x128x128xf32, #tpu.memory_space<vmem>> -> memref<128x128xf32, #tpu.memory_space<vmem>>
      %dma_wait3A_158 = arith.constant 0 : i32
      %dma_wait3A_159 = tpu.memref_slice %arg2[%dma_wait3A_158, %mul3A_2] : memref<327680x256xf32, #tpu.memory_space<hbm>> -> memref<128x128xf32, #tpu.memory_space<hbm>>
      tpu.wait_dma2 semaphore(%arg17 : memref<!tpu.dma_semaphore, #tpu.memory_space<semaphore_mem>>) src(%dma_wait3A_159 : memref<128x128xf32, #tpu.memory_space<hbm>>) dst(%dma_wait3A_157 : memref<128x128xf32, #tpu.memory_space<vmem>>)
      %run_scoped3A_160 = arith.constant 1 : i32
      "tpu.region"() ({
        %run_scoped3A_161 = tpu.sem_alloc : memref<!tpu.dma_semaphore, #tpu.memory_space<semaphore_mem>>
        %dma_start3A_162 = arith.constant 0 : i32
        %dma_start3A_163 = arith.constant 0 : i32
        %dma_start3A_164 = tpu.memref_slice %arg13[%run_scoped3A_160, %dma_start3A_162, %dma_start3A_163] : memref<2x128x128xf32, #tpu.memory_space<vmem>> -> memref<1x128x128xf32, #tpu.memory_space<vmem>>
        %dma_start3A_165 = tpu.memref_squeeze %dma_start3A_164 : memref<1x128x128xf32, #tpu.memory_space<vmem>> -> memref<128x128xf32, #tpu.memory_space<vmem>>
        %dma_start3A_166 = arith.constant 0 : i32
        %dma_start3A_167 = tpu.memref_slice %arg14[%add3A_116, %dma_start3A_166] : memref<80x128xi32, #tpu.memory_space<vmem>> -> memref<1x128xi32, #tpu.memory_space<vmem>>
        %dma_start3A_168 = tpu.memref_squeeze %dma_start3A_167 : memref<1x128xi32, #tpu.memory_space<vmem>> -> memref<128xi32, #tpu.memory_space<vmem>>
        %dma_start3A_169 = arith.constant 0 : i32
        %dma_start3A_170 = arith.constant 0 : i32
        %dma_start3A_171 = tpu.memref_slice %arg11[%dma_start3A_169, %dma_start3A_170] : memref<10240x128xf32, #tpu.memory_space<vmem_shared>> -> memref<10240x128xf32, #tpu.memory_space<vmem_shared>>
        tpu.enqueue_indirect_dma source(%dma_start3A_165 : memref<128x128xf32, #tpu.memory_space<vmem>>) target(%dma_start3A_171 : memref<10240x128xf32, #tpu.memory_space<vmem_shared>>) offsets(%dma_start3A_168 : memref<128xi32, #tpu.memory_space<vmem>>) semaphore(%run_scoped3A_161 : memref<!tpu.dma_semaphore, #tpu.memory_space<semaphore_mem>>) {add = true}
        %dma_wait3A_172 = arith.constant 0 : i32
        %dma_wait3A_173 = arith.constant 0 : i32
        %dma_wait3A_174 = tpu.memref_slice %arg13[%run_scoped3A_160, %dma_wait3A_172, %dma_wait3A_173] : memref<2x128x128xf32, #tpu.memory_space<vmem>> -> memref<1x128x128xf32, #tpu.memory_space<vmem>>
        %dma_wait3A_175 = tpu.memref_squeeze %dma_wait3A_174 : memref<1x128x128xf32, #tpu.memory_space<vmem>> -> memref<128x128xf32, #tpu.memory_space<vmem>>
        %dma_wait3A_176 = arith.constant 0 : i32
        %dma_wait3A_177 = tpu.memref_slice %arg14[%add3A_116, %dma_wait3A_176] : memref<80x128xi32, #tpu.memory_space<vmem>> -> memref<1x128xi32, #tpu.memory_space<vmem>>
        %dma_wait3A_178 = tpu.memref_squeeze %dma_wait3A_177 : memref<1x128xi32, #tpu.memory_space<vmem>> -> memref<128xi32, #tpu.memory_space<vmem>>
        %dma_wait3A_179 = arith.constant 0 : i32
        %dma_wait3A_180 = arith.constant 0 : i32
        %dma_wait3A_181 = tpu.memref_slice %arg11[%dma_wait3A_179, %dma_wait3A_180] : memref<10240x128xf32, #tpu.memory_space<vmem_shared>> -> memref<10240x128xf32, #tpu.memory_space<vmem_shared>>
        tpu.wait_indirect_dma semaphore(%run_scoped3A_161 : memref<!tpu.dma_semaphore, #tpu.memory_space<semaphore_mem>>) src(%dma_wait3A_175 : memref<128x128xf32, #tpu.memory_space<vmem>>) dst(%dma_wait3A_181 : memref<10240x128xf32, #tpu.memory_space<vmem_shared>>)
        tpu.yield
      }) : () -> ()
    }
    %scan3A_49 = arith.constant 40 : i32
    %barrier3A_50 = arith.constant 0 : index
    tpu.barrier barrier_id(%barrier3A_50)
    "tpu.region"() ({
      %run_scoped3A = tpu.sem_alloc : memref<!tpu.dma_semaphore, #tpu.memory_space<semaphore_mem>>
      %dma_start3A_112 = tpu.memref_slice %arg8[%mul3A_0, %mul3A_2] : memref<10240x256xf32, #tpu.memory_space<hbm>> -> memref<640x128xf32, #tpu.memory_space<hbm>>
      %dma_start3A_113 = arith.constant 0 : i32
      %dma_start3A_114 = tpu.memref_slice %arg11[%mul3A_0, %dma_start3A_113] : memref<10240x128xf32, #tpu.memory_space<vmem_shared>> -> memref<640x128xf32, #tpu.memory_space<vmem_shared>>
      tpu.enqueue_dma source(%dma_start3A_114 : memref<640x128xf32, #tpu.memory_space<vmem_shared>>) target(%dma_start3A_112 : memref<640x128xf32, #tpu.memory_space<hbm>>) target_semaphore(%run_scoped3A : memref<!tpu.dma_semaphore, #tpu.memory_space<semaphore_mem>>)
      %dma_wait3A = tpu.memref_slice %arg8[%mul3A_0, %mul3A_2] : memref<10240x256xf32, #tpu.memory_space<hbm>> -> memref<640x128xf32, #tpu.memory_space<hbm>>
      %dma_wait3A_115 = arith.constant 0 : i32
      %dma_wait3A_116 = tpu.memref_slice %arg11[%mul3A_0, %dma_wait3A_115] : memref<10240x128xf32, #tpu.memory_space<vmem_shared>> -> memref<640x128xf32, #tpu.memory_space<vmem_shared>>
      tpu.wait_dma2 semaphore(%run_scoped3A : memref<!tpu.dma_semaphore, #tpu.memory_space<semaphore_mem>>) src(%dma_wait3A_116 : memref<640x128xf32, #tpu.memory_space<vmem_shared>>) dst(%dma_wait3A : memref<640x128xf32, #tpu.memory_space<hbm>>)
      tpu.yield
    }) : () -> ()
    "tpu.region"() ({
      %run_scoped3A = tpu.sem_alloc : memref<!tpu.dma_semaphore, #tpu.memory_space<semaphore_mem>>
      %dma_start3A_112 = arith.constant 0 : i32
      %dma_start3A_113 = tpu.memref_slice %arg11[%mul3A_0, %dma_start3A_112] : memref<10240x128xf32, #tpu.memory_space<vmem_shared>> -> memref<640x128xf32, #tpu.memory_space<vmem_shared>>
      %dma_start3A_114 = arith.constant 0 : i32
      %dma_start3A_115 = tpu.memref_slice %arg5[%mul3A_0, %dma_start3A_114] : memref<10240x128xf32, #tpu.memory_space<hbm>> -> memref<640x128xf32, #tpu.memory_space<hbm>>
      tpu.enqueue_dma source(%dma_start3A_115 : memref<640x128xf32, #tpu.memory_space<hbm>>) target(%dma_start3A_113 : memref<640x128xf32, #tpu.memory_space<vmem_shared>>) target_semaphore(%run_scoped3A : memref<!tpu.dma_semaphore, #tpu.memory_space<semaphore_mem>>)
      %dma_wait3A = arith.constant 0 : i32
      %dma_wait3A_116 = tpu.memref_slice %arg11[%mul3A_0, %dma_wait3A] : memref<10240x128xf32, #tpu.memory_space<vmem_shared>> -> memref<640x128xf32, #tpu.memory_space<vmem_shared>>
      %dma_wait3A_117 = arith.constant 0 : i32
      %dma_wait3A_118 = tpu.memref_slice %arg5[%mul3A_0, %dma_wait3A_117] : memref<10240x128xf32, #tpu.memory_space<hbm>> -> memref<640x128xf32, #tpu.memory_space<hbm>>
      tpu.wait_dma2 semaphore(%run_scoped3A : memref<!tpu.dma_semaphore, #tpu.memory_space<semaphore_mem>>) src(%dma_wait3A_118 : memref<640x128xf32, #tpu.memory_space<hbm>>) dst(%dma_wait3A_116 : memref<640x128xf32, #tpu.memory_space<vmem_shared>>)
      tpu.yield
    }) : () -> ()
    %barrier3A_51 = arith.constant 0 : index
    tpu.barrier barrier_id(%barrier3A_51)
    %mul3A_52 = arith.constant 160 : i32
    %mul3A_53 = arith.muli %arg1, %mul3A_52 : i32
    %add3A_54 = arith.constant 0 : i32
    %add3A_55 = arith.addi %mul3A_53, %add3A_54 : i32
    "tpu.region"() ({
      %run_scoped3A = tpu.sem_alloc : memref<!tpu.dma_semaphore, #tpu.memory_space<semaphore_mem>>
      %dma_start3A_112 = arith.constant 0 : i32
      %dma_start3A_113 = tpu.memref_slice %arg4[%add3A_55, %dma_start3A_112] : memref<2560x128xi32, #tpu.memory_space<hbm>> -> memref<80x128xi32, #tpu.memory_space<hbm>>
      %dma_start3A_114 = arith.constant 0 : i32
      %dma_start3A_115 = tpu.memref_slice %arg4[%add3A_55, %dma_start3A_114] : memref<2560x128xi32, #tpu.memory_space<hbm>> -> memref<80x128xi32, #tpu.memory_space<hbm>>
      tpu.enqueue_dma source(%dma_start3A_115 : memref<80x128xi32, #tpu.memory_space<hbm>>) target(%arg14 : memref<80x128xi32, #tpu.memory_space<vmem>>) target_semaphore(%run_scoped3A : memref<!tpu.dma_semaphore, #tpu.memory_space<semaphore_mem>>)
      %dma_wait3A = arith.constant 0 : i32
      %dma_wait3A_116 = tpu.memref_slice %arg4[%add3A_55, %dma_wait3A] : memref<2560x128xi32, #tpu.memory_space<hbm>> -> memref<80x128xi32, #tpu.memory_space<hbm>>
      %dma_wait3A_117 = arith.constant 0 : i32
      %dma_wait3A_118 = tpu.memref_slice %arg4[%add3A_55, %dma_wait3A_117] : memref<2560x128xi32, #tpu.memory_space<hbm>> -> memref<80x128xi32, #tpu.memory_space<hbm>>
      tpu.wait_dma2 semaphore(%run_scoped3A : memref<!tpu.dma_semaphore, #tpu.memory_space<semaphore_mem>>) src(%dma_wait3A_118 : memref<80x128xi32, #tpu.memory_space<hbm>>) dst(%arg14 : memref<80x128xi32, #tpu.memory_space<vmem>>)
      tpu.yield
    }) : () -> ()
    %add3A_56 = arith.constant 0 : i32
    %add3A_57 = arith.addi %add3A_56, %arg0 : i32
    %add3A_58 = arith.addi %add3A_55, %add3A_57 : i32
    %mul3A_59 = arith.constant 128 : i32
    %mul3A_60 = arith.muli %add3A_58, %mul3A_59 : i32
    %dma_start3A_61 = arith.constant 0 : i32
    %dma_start3A_62 = arith.constant 0 : i32
    %dma_start3A_63 = arith.constant 0 : i32
    %dma_start3A_64 = tpu.memref_slice %arg13[%dma_start3A_61, %dma_start3A_62, %dma_start3A_63] : memref<2x128x128xf32, #tpu.memory_space<vmem>> -> memref<1x128x128xf32, #tpu.memory_space<vmem>>
    %dma_start3A_65 = tpu.memref_squeeze %dma_start3A_64 : memref<1x128x128xf32, #tpu.memory_space<vmem>> -> memref<128x128xf32, #tpu.memory_space<vmem>>
    %dma_start3A_66 = arith.constant 0 : i32
    %dma_start3A_67 = tpu.memref_slice %arg3[%mul3A_60, %dma_start3A_66] : memref<327680x128xf32, #tpu.memory_space<hbm>> -> memref<128x128xf32, #tpu.memory_space<hbm>>
    %dma_start3A_68 = arith.constant 0 : i32
    %dma_start3A_69 = arith.constant 0 : i32
    %dma_start3A_70 = tpu.memref_slice %arg13[%dma_start3A_61, %dma_start3A_68, %dma_start3A_69] : memref<2x128x128xf32, #tpu.memory_space<vmem>> -> memref<1x128x128xf32, #tpu.memory_space<vmem>>
    %dma_start3A_71 = tpu.memref_squeeze %dma_start3A_70 : memref<1x128x128xf32, #tpu.memory_space<vmem>> -> memref<128x128xf32, #tpu.memory_space<vmem>>
    %dma_start3A_72 = arith.constant 0 : i32
    %dma_start3A_73 = tpu.memref_slice %arg3[%mul3A_60, %dma_start3A_72] : memref<327680x128xf32, #tpu.memory_space<hbm>> -> memref<128x128xf32, #tpu.memory_space<hbm>>
    tpu.enqueue_dma source(%dma_start3A_73 : memref<128x128xf32, #tpu.memory_space<hbm>>) target(%dma_start3A_71 : memref<128x128xf32, #tpu.memory_space<vmem>>) target_semaphore(%arg16 : memref<!tpu.dma_semaphore, #tpu.memory_space<semaphore_mem>>)
    %scan3A_74 = arith.constant 0 : i32
    %scan3A_75 = arith.constant 0 : i32
    %scan3A_76 = arith.constant 20 : i32
    %scan3A_77 = arith.addi %scan3A_75, %scan3A_76 : i32
    %scan3A_78 = arith.constant 1 : i32
    scf.for %scan3A_112 = %scan3A_75 to %scan3A_77 step %scan3A_78  : i32 {
      %mul3A_113 = arith.constant 2 : i32
      %mul3A_114 = arith.muli %mul3A_113, %scan3A_112 : i32
      %add3A_115 = arith.constant 1 : i32
      %add3A_116 = arith.addi %mul3A_114, %add3A_115 : i32
      %mul3A_117 = arith.constant 2 : i32
      %mul3A_118 = arith.muli %mul3A_117, %add3A_116 : i32
      %add3A_119 = arith.addi %mul3A_118, %arg0 : i32
      %add3A_120 = arith.addi %add3A_55, %add3A_119 : i32
      %mul3A_121 = arith.constant 128 : i32
      %mul3A_122 = arith.muli %add3A_120, %mul3A_121 : i32
      %dma_start3A_123 = arith.constant 1 : i32
      %dma_start3A_124 = arith.constant 0 : i32
      %dma_start3A_125 = arith.constant 0 : i32
      %dma_start3A_126 = tpu.memref_slice %arg13[%dma_start3A_123, %dma_start3A_124, %dma_start3A_125] : memref<2x128x128xf32, #tpu.memory_space<vmem>> -> memref<1x128x128xf32, #tpu.memory_space<vmem>>
      %dma_start3A_127 = tpu.memref_squeeze %dma_start3A_126 : memref<1x128x128xf32, #tpu.memory_space<vmem>> -> memref<128x128xf32, #tpu.memory_space<vmem>>
      %dma_start3A_128 = arith.constant 0 : i32
      %dma_start3A_129 = tpu.memref_slice %arg3[%mul3A_122, %dma_start3A_128] : memref<327680x128xf32, #tpu.memory_space<hbm>> -> memref<128x128xf32, #tpu.memory_space<hbm>>
      %dma_start3A_130 = arith.constant 0 : i32
      %dma_start3A_131 = arith.constant 0 : i32
      %dma_start3A_132 = tpu.memref_slice %arg13[%dma_start3A_123, %dma_start3A_130, %dma_start3A_131] : memref<2x128x128xf32, #tpu.memory_space<vmem>> -> memref<1x128x128xf32, #tpu.memory_space<vmem>>
      %dma_start3A_133 = tpu.memref_squeeze %dma_start3A_132 : memref<1x128x128xf32, #tpu.memory_space<vmem>> -> memref<128x128xf32, #tpu.memory_space<vmem>>
      %dma_start3A_134 = arith.constant 0 : i32
      %dma_start3A_135 = tpu.memref_slice %arg3[%mul3A_122, %dma_start3A_134] : memref<327680x128xf32, #tpu.memory_space<hbm>> -> memref<128x128xf32, #tpu.memory_space<hbm>>
      tpu.enqueue_dma source(%dma_start3A_135 : memref<128x128xf32, #tpu.memory_space<hbm>>) target(%dma_start3A_133 : memref<128x128xf32, #tpu.memory_space<vmem>>) target_semaphore(%arg17 : memref<!tpu.dma_semaphore, #tpu.memory_space<semaphore_mem>>)
      %dma_wait3A = arith.constant 0 : i32
      %dma_wait3A_136 = arith.constant 0 : i32
      %dma_wait3A_137 = arith.constant 0 : i32
      %dma_wait3A_138 = tpu.memref_slice %arg13[%dma_wait3A, %dma_wait3A_136, %dma_wait3A_137] : memref<2x128x128xf32, #tpu.memory_space<vmem>> -> memref<1x128x128xf32, #tpu.memory_space<vmem>>
      %dma_wait3A_139 = tpu.memref_squeeze %dma_wait3A_138 : memref<1x128x128xf32, #tpu.memory_space<vmem>> -> memref<128x128xf32, #tpu.memory_space<vmem>>
      %dma_wait3A_140 = arith.constant 0 : i32
      %dma_wait3A_141 = arith.constant 0 : i32
      %dma_wait3A_142 = tpu.memref_slice %arg3[%dma_wait3A_140, %dma_wait3A_141] : memref<327680x128xf32, #tpu.memory_space<hbm>> -> memref<128x128xf32, #tpu.memory_space<hbm>>
      %dma_wait3A_143 = arith.constant 0 : i32
      %dma_wait3A_144 = arith.constant 0 : i32
      %dma_wait3A_145 = tpu.memref_slice %arg13[%dma_wait3A, %dma_wait3A_143, %dma_wait3A_144] : memref<2x128x128xf32, #tpu.memory_space<vmem>> -> memref<1x128x128xf32, #tpu.memory_space<vmem>>
      %dma_wait3A_146 = tpu.memref_squeeze %dma_wait3A_145 : memref<1x128x128xf32, #tpu.memory_space<vmem>> -> memref<128x128xf32, #tpu.memory_space<vmem>>
      %dma_wait3A_147 = arith.constant 0 : i32
      %dma_wait3A_148 = arith.constant 0 : i32
      %dma_wait3A_149 = tpu.memref_slice %arg3[%dma_wait3A_147, %dma_wait3A_148] : memref<327680x128xf32, #tpu.memory_space<hbm>> -> memref<128x128xf32, #tpu.memory_space<hbm>>
      tpu.wait_dma2 semaphore(%arg16 : memref<!tpu.dma_semaphore, #tpu.memory_space<semaphore_mem>>) src(%dma_wait3A_149 : memref<128x128xf32, #tpu.memory_space<hbm>>) dst(%dma_wait3A_146 : memref<128x128xf32, #tpu.memory_space<vmem>>)
      %mul3A_150 = arith.constant 2 : i32
      %mul3A_151 = arith.muli %mul3A_150, %mul3A_114 : i32
      %add3A_152 = arith.addi %mul3A_151, %arg0 : i32
      %run_scoped3A = arith.constant 0 : i32
      "tpu.region"() ({
        %run_scoped3A_176 = tpu.sem_alloc : memref<!tpu.dma_semaphore, #tpu.memory_space<semaphore_mem>>
        %dma_start3A_177 = arith.constant 0 : i32
        %dma_start3A_178 = arith.constant 0 : i32
        %dma_start3A_179 = tpu.memref_slice %arg13[%run_scoped3A, %dma_start3A_177, %dma_start3A_178] : memref<2x128x128xf32, #tpu.memory_space<vmem>> -> memref<1x128x128xf32, #tpu.memory_space<vmem>>
        %dma_start3A_180 = tpu.memref_squeeze %dma_start3A_179 : memref<1x128x128xf32, #tpu.memory_space<vmem>> -> memref<128x128xf32, #tpu.memory_space<vmem>>
        %dma_start3A_181 = arith.constant 0 : i32
        %dma_start3A_182 = tpu.memref_slice %arg14[%add3A_152, %dma_start3A_181] : memref<80x128xi32, #tpu.memory_space<vmem>> -> memref<1x128xi32, #tpu.memory_space<vmem>>
        %dma_start3A_183 = tpu.memref_squeeze %dma_start3A_182 : memref<1x128xi32, #tpu.memory_space<vmem>> -> memref<128xi32, #tpu.memory_space<vmem>>
        %dma_start3A_184 = arith.constant 0 : i32
        %dma_start3A_185 = arith.constant 0 : i32
        %dma_start3A_186 = tpu.memref_slice %arg11[%dma_start3A_184, %dma_start3A_185] : memref<10240x128xf32, #tpu.memory_space<vmem_shared>> -> memref<10240x128xf32, #tpu.memory_space<vmem_shared>>
        tpu.enqueue_indirect_dma source(%dma_start3A_180 : memref<128x128xf32, #tpu.memory_space<vmem>>) target(%dma_start3A_186 : memref<10240x128xf32, #tpu.memory_space<vmem_shared>>) offsets(%dma_start3A_183 : memref<128xi32, #tpu.memory_space<vmem>>) semaphore(%run_scoped3A_176 : memref<!tpu.dma_semaphore, #tpu.memory_space<semaphore_mem>>) {add = true}
        %dma_wait3A_187 = arith.constant 0 : i32
        %dma_wait3A_188 = arith.constant 0 : i32
        %dma_wait3A_189 = tpu.memref_slice %arg13[%run_scoped3A, %dma_wait3A_187, %dma_wait3A_188] : memref<2x128x128xf32, #tpu.memory_space<vmem>> -> memref<1x128x128xf32, #tpu.memory_space<vmem>>
        %dma_wait3A_190 = tpu.memref_squeeze %dma_wait3A_189 : memref<1x128x128xf32, #tpu.memory_space<vmem>> -> memref<128x128xf32, #tpu.memory_space<vmem>>
        %dma_wait3A_191 = arith.constant 0 : i32
        %dma_wait3A_192 = tpu.memref_slice %arg14[%add3A_152, %dma_wait3A_191] : memref<80x128xi32, #tpu.memory_space<vmem>> -> memref<1x128xi32, #tpu.memory_space<vmem>>
        %dma_wait3A_193 = tpu.memref_squeeze %dma_wait3A_192 : memref<1x128xi32, #tpu.memory_space<vmem>> -> memref<128xi32, #tpu.memory_space<vmem>>
        %dma_wait3A_194 = arith.constant 0 : i32
        %dma_wait3A_195 = arith.constant 0 : i32
        %dma_wait3A_196 = tpu.memref_slice %arg11[%dma_wait3A_194, %dma_wait3A_195] : memref<10240x128xf32, #tpu.memory_space<vmem_shared>> -> memref<10240x128xf32, #tpu.memory_space<vmem_shared>>
        tpu.wait_indirect_dma semaphore(%run_scoped3A_176 : memref<!tpu.dma_semaphore, #tpu.memory_space<semaphore_mem>>) src(%dma_wait3A_190 : memref<128x128xf32, #tpu.memory_space<vmem>>) dst(%dma_wait3A_196 : memref<10240x128xf32, #tpu.memory_space<vmem_shared>>)
        tpu.yield
      }) : () -> ()
      "tpu.region"() ({
        %run_scoped3A_176 = tpu.sem_alloc : memref<!tpu.dma_semaphore, #tpu.memory_space<semaphore_mem>>
        %dma_start3A_177 = arith.constant 0 : i32
        %dma_start3A_178 = tpu.memref_slice %arg14[%add3A_152, %dma_start3A_177] : memref<80x128xi32, #tpu.memory_space<vmem>> -> memref<1x128xi32, #tpu.memory_space<vmem>>
        %dma_start3A_179 = tpu.memref_squeeze %dma_start3A_178 : memref<1x128xi32, #tpu.memory_space<vmem>> -> memref<128xi32, #tpu.memory_space<vmem>>
        %dma_start3A_180 = arith.constant 0 : i32
        %dma_start3A_181 = tpu.memref_slice %arg12[%dma_start3A_180] : memref<10240xf32, #tpu.memory_space<vmem_shared>> -> memref<10240xf32, #tpu.memory_space<vmem_shared>>
        tpu.enqueue_indirect_dma source(%arg15 : memref<128xf32, #tpu.memory_space<vmem>>) target(%dma_start3A_181 : memref<10240xf32, #tpu.memory_space<vmem_shared>>) offsets(%dma_start3A_179 : memref<128xi32, #tpu.memory_space<vmem>>) semaphore(%run_scoped3A_176 : memref<!tpu.dma_semaphore, #tpu.memory_space<semaphore_mem>>) {add = true}
        %dma_wait3A_182 = arith.constant 0 : i32
        %dma_wait3A_183 = tpu.memref_slice %arg14[%add3A_152, %dma_wait3A_182] : memref<80x128xi32, #tpu.memory_space<vmem>> -> memref<1x128xi32, #tpu.memory_space<vmem>>
        %dma_wait3A_184 = tpu.memref_squeeze %dma_wait3A_183 : memref<1x128xi32, #tpu.memory_space<vmem>> -> memref<128xi32, #tpu.memory_space<vmem>>
        %dma_wait3A_185 = arith.constant 0 : i32
        %dma_wait3A_186 = tpu.memref_slice %arg12[%dma_wait3A_185] : memref<10240xf32, #tpu.memory_space<vmem_shared>> -> memref<10240xf32, #tpu.memory_space<vmem_shared>>
        tpu.wait_indirect_dma semaphore(%run_scoped3A_176 : memref<!tpu.dma_semaphore, #tpu.memory_space<semaphore_mem>>) src(%arg15 : memref<128xf32, #tpu.memory_space<vmem>>) dst(%dma_wait3A_186 : memref<10240xf32, #tpu.memory_space<vmem_shared>>)
        tpu.yield
      }) : () -> ()
      %add3A_153 = arith.constant 2 : i32
      %add3A_154 = arith.addi %mul3A_114, %add3A_153 : i32
      %lt3A = arith.constant 40 : i32
      %lt3A_155 = arith.cmpi slt, %add3A_154, %lt3A : i32
      %convert_element_type3A = arith.extui %lt3A_155 : i1 to i32
      %cond3A = arith.constant 0 : i32
      %cond3A_156 = arith.cmpi ne, %convert_element_type3A, %cond3A : i32
      scf.if %cond3A_156 {
        %add3A_176 = arith.constant 2 : i32
        %add3A_177 = arith.addi %mul3A_114, %add3A_176 : i32
        %mul3A_178 = arith.constant 2 : i32
        %mul3A_179 = arith.muli %mul3A_178, %add3A_177 : i32
        %add3A_180 = arith.addi %mul3A_179, %arg0 : i32
        %add3A_181 = arith.addi %add3A_55, %add3A_180 : i32
        %mul3A_182 = arith.constant 128 : i32
        %mul3A_183 = arith.muli %add3A_181, %mul3A_182 : i32
        %dma_start3A_184 = arith.constant 0 : i32
        %dma_start3A_185 = arith.constant 0 : i32
        %dma_start3A_186 = arith.constant 0 : i32
        %dma_start3A_187 = tpu.memref_slice %arg13[%dma_start3A_184, %dma_start3A_185, %dma_start3A_186] : memref<2x128x128xf32, #tpu.memory_space<vmem>> -> memref<1x128x128xf32, #tpu.memory_space<vmem>>
        %dma_start3A_188 = tpu.memref_squeeze %dma_start3A_187 : memref<1x128x128xf32, #tpu.memory_space<vmem>> -> memref<128x128xf32, #tpu.memory_space<vmem>>
        %dma_start3A_189 = arith.constant 0 : i32
        %dma_start3A_190 = tpu.memref_slice %arg3[%mul3A_183, %dma_start3A_189] : memref<327680x128xf32, #tpu.memory_space<hbm>> -> memref<128x128xf32, #tpu.memory_space<hbm>>
        %dma_start3A_191 = arith.constant 0 : i32
        %dma_start3A_192 = arith.constant 0 : i32
        %dma_start3A_193 = tpu.memref_slice %arg13[%dma_start3A_184, %dma_start3A_191, %dma_start3A_192] : memref<2x128x128xf32, #tpu.memory_space<vmem>> -> memref<1x128x128xf32, #tpu.memory_space<vmem>>
        %dma_start3A_194 = tpu.memref_squeeze %dma_start3A_193 : memref<1x128x128xf32, #tpu.memory_space<vmem>> -> memref<128x128xf32, #tpu.memory_space<vmem>>
        %dma_start3A_195 = arith.constant 0 : i32
        %dma_start3A_196 = tpu.memref_slice %arg3[%mul3A_183, %dma_start3A_195] : memref<327680x128xf32, #tpu.memory_space<hbm>> -> memref<128x128xf32, #tpu.memory_space<hbm>>
        tpu.enqueue_dma source(%dma_start3A_196 : memref<128x128xf32, #tpu.memory_space<hbm>>) target(%dma_start3A_194 : memref<128x128xf32, #tpu.memory_space<vmem>>) target_semaphore(%arg16 : memref<!tpu.dma_semaphore, #tpu.memory_space<semaphore_mem>>)
      } else {
      }
      %dma_wait3A_157 = arith.constant 1 : i32
      %dma_wait3A_158 = arith.constant 0 : i32
      %dma_wait3A_159 = arith.constant 0 : i32
      %dma_wait3A_160 = tpu.memref_slice %arg13[%dma_wait3A_157, %dma_wait3A_158, %dma_wait3A_159] : memref<2x128x128xf32, #tpu.memory_space<vmem>> -> memref<1x128x128xf32, #tpu.memory_space<vmem>>
      %dma_wait3A_161 = tpu.memref_squeeze %dma_wait3A_160 : memref<1x128x128xf32, #tpu.memory_space<vmem>> -> memref<128x128xf32, #tpu.memory_space<vmem>>
      %dma_wait3A_162 = arith.constant 0 : i32
      %dma_wait3A_163 = arith.constant 0 : i32
      %dma_wait3A_164 = tpu.memref_slice %arg3[%dma_wait3A_162, %dma_wait3A_163] : memref<327680x128xf32, #tpu.memory_space<hbm>> -> memref<128x128xf32, #tpu.memory_space<hbm>>
      %dma_wait3A_165 = arith.constant 0 : i32
      %dma_wait3A_166 = arith.constant 0 : i32
      %dma_wait3A_167 = tpu.memref_slice %arg13[%dma_wait3A_157, %dma_wait3A_165, %dma_wait3A_166] : memref<2x128x128xf32, #tpu.memory_space<vmem>> -> memref<1x128x128xf32, #tpu.memory_space<vmem>>
      %dma_wait3A_168 = tpu.memref_squeeze %dma_wait3A_167 : memref<1x128x128xf32, #tpu.memory_space<vmem>> -> memref<128x128xf32, #tpu.memory_space<vmem>>
      %dma_wait3A_169 = arith.constant 0 : i32
      %dma_wait3A_170 = arith.constant 0 : i32
      %dma_wait3A_171 = tpu.memref_slice %arg3[%dma_wait3A_169, %dma_wait3A_170] : memref<327680x128xf32, #tpu.memory_space<hbm>> -> memref<128x128xf32, #tpu.memory_space<hbm>>
      tpu.wait_dma2 semaphore(%arg17 : memref<!tpu.dma_semaphore, #tpu.memory_space<semaphore_mem>>) src(%dma_wait3A_171 : memref<128x128xf32, #tpu.memory_space<hbm>>) dst(%dma_wait3A_168 : memref<128x128xf32, #tpu.memory_space<vmem>>)
      %mul3A_172 = arith.constant 2 : i32
      %mul3A_173 = arith.muli %mul3A_172, %add3A_116 : i32
      %add3A_174 = arith.addi %mul3A_173, %arg0 : i32
      %run_scoped3A_175 = arith.constant 1 : i32
      "tpu.region"() ({
        %run_scoped3A_176 = tpu.sem_alloc : memref<!tpu.dma_semaphore, #tpu.memory_space<semaphore_mem>>
        %dma_start3A_177 = arith.constant 0 : i32
        %dma_start3A_178 = arith.constant 0 : i32
        %dma_start3A_179 = tpu.memref_slice %arg13[%run_scoped3A_175, %dma_start3A_177, %dma_start3A_178] : memref<2x128x128xf32, #tpu.memory_space<vmem>> -> memref<1x128x128xf32, #tpu.memory_space<vmem>>
        %dma_start3A_180 = tpu.memref_squeeze %dma_start3A_179 : memref<1x128x128xf32, #tpu.memory_space<vmem>> -> memref<128x128xf32, #tpu.memory_space<vmem>>
        %dma_start3A_181 = arith.constant 0 : i32
        %dma_start3A_182 = tpu.memref_slice %arg14[%add3A_174, %dma_start3A_181] : memref<80x128xi32, #tpu.memory_space<vmem>> -> memref<1x128xi32, #tpu.memory_space<vmem>>
        %dma_start3A_183 = tpu.memref_squeeze %dma_start3A_182 : memref<1x128xi32, #tpu.memory_space<vmem>> -> memref<128xi32, #tpu.memory_space<vmem>>
        %dma_start3A_184 = arith.constant 0 : i32
        %dma_start3A_185 = arith.constant 0 : i32
        %dma_start3A_186 = tpu.memref_slice %arg11[%dma_start3A_184, %dma_start3A_185] : memref<10240x128xf32, #tpu.memory_space<vmem_shared>> -> memref<10240x128xf32, #tpu.memory_space<vmem_shared>>
        tpu.enqueue_indirect_dma source(%dma_start3A_180 : memref<128x128xf32, #tpu.memory_space<vmem>>) target(%dma_start3A_186 : memref<10240x128xf32, #tpu.memory_space<vmem_shared>>) offsets(%dma_start3A_183 : memref<128xi32, #tpu.memory_space<vmem>>) semaphore(%run_scoped3A_176 : memref<!tpu.dma_semaphore, #tpu.memory_space<semaphore_mem>>) {add = true}
        %dma_wait3A_187 = arith.constant 0 : i32
        %dma_wait3A_188 = arith.constant 0 : i32
        %dma_wait3A_189 = tpu.memref_slice %arg13[%run_scoped3A_175, %dma_wait3A_187, %dma_wait3A_188] : memref<2x128x128xf32, #tpu.memory_space<vmem>> -> memref<1x128x128xf32, #tpu.memory_space<vmem>>
        %dma_wait3A_190 = tpu.memref_squeeze %dma_wait3A_189 : memref<1x128x128xf32, #tpu.memory_space<vmem>> -> memref<128x128xf32, #tpu.memory_space<vmem>>
        %dma_wait3A_191 = arith.constant 0 : i32
        %dma_wait3A_192 = tpu.memref_slice %arg14[%add3A_174, %dma_wait3A_191] : memref<80x128xi32, #tpu.memory_space<vmem>> -> memref<1x128xi32, #tpu.memory_space<vmem>>
        %dma_wait3A_193 = tpu.memref_squeeze %dma_wait3A_192 : memref<1x128xi32, #tpu.memory_space<vmem>> -> memref<128xi32, #tpu.memory_space<vmem>>
        %dma_wait3A_194 = arith.constant 0 : i32
        %dma_wait3A_195 = arith.constant 0 : i32
        %dma_wait3A_196 = tpu.memref_slice %arg11[%dma_wait3A_194, %dma_wait3A_195] : memref<10240x128xf32, #tpu.memory_space<vmem_shared>> -> memref<10240x128xf32, #tpu.memory_space<vmem_shared>>
        tpu.wait_indirect_dma semaphore(%run_scoped3A_176 : memref<!tpu.dma_semaphore, #tpu.memory_space<semaphore_mem>>) src(%dma_wait3A_190 : memref<128x128xf32, #tpu.memory_space<vmem>>) dst(%dma_wait3A_196 : memref<10240x128xf32, #tpu.memory_space<vmem_shared>>)
        tpu.yield
      }) : () -> ()
      "tpu.region"() ({
        %run_scoped3A_176 = tpu.sem_alloc : memref<!tpu.dma_semaphore, #tpu.memory_space<semaphore_mem>>
        %dma_start3A_177 = arith.constant 0 : i32
        %dma_start3A_178 = tpu.memref_slice %arg14[%add3A_174, %dma_start3A_177] : memref<80x128xi32, #tpu.memory_space<vmem>> -> memref<1x128xi32, #tpu.memory_space<vmem>>
        %dma_start3A_179 = tpu.memref_squeeze %dma_start3A_178 : memref<1x128xi32, #tpu.memory_space<vmem>> -> memref<128xi32, #tpu.memory_space<vmem>>
        %dma_start3A_180 = arith.constant 0 : i32
        %dma_start3A_181 = tpu.memref_slice %arg12[%dma_start3A_180] : memref<10240xf32, #tpu.memory_space<vmem_shared>> -> memref<10240xf32, #tpu.memory_space<vmem_shared>>
        tpu.enqueue_indirect_dma source(%arg15 : memref<128xf32, #tpu.memory_space<vmem>>) target(%dma_start3A_181 : memref<10240xf32, #tpu.memory_space<vmem_shared>>) offsets(%dma_start3A_179 : memref<128xi32, #tpu.memory_space<vmem>>) semaphore(%run_scoped3A_176 : memref<!tpu.dma_semaphore, #tpu.memory_space<semaphore_mem>>) {add = true}
        %dma_wait3A_182 = arith.constant 0 : i32
        %dma_wait3A_183 = tpu.memref_slice %arg14[%add3A_174, %dma_wait3A_182] : memref<80x128xi32, #tpu.memory_space<vmem>> -> memref<1x128xi32, #tpu.memory_space<vmem>>
        %dma_wait3A_184 = tpu.memref_squeeze %dma_wait3A_183 : memref<1x128xi32, #tpu.memory_space<vmem>> -> memref<128xi32, #tpu.memory_space<vmem>>
        %dma_wait3A_185 = arith.constant 0 : i32
        %dma_wait3A_186 = tpu.memref_slice %arg12[%dma_wait3A_185] : memref<10240xf32, #tpu.memory_space<vmem_shared>> -> memref<10240xf32, #tpu.memory_space<vmem_shared>>
        tpu.wait_indirect_dma semaphore(%run_scoped3A_176 : memref<!tpu.dma_semaphore, #tpu.memory_space<semaphore_mem>>) src(%arg15 : memref<128xf32, #tpu.memory_space<vmem>>) dst(%dma_wait3A_186 : memref<10240xf32, #tpu.memory_space<vmem_shared>>)
        tpu.yield
      }) : () -> ()
    }
    %scan3A_79 = arith.constant 20 : i32
    %mul3A_80 = arith.constant 160 : i32
    %mul3A_81 = arith.muli %arg1, %mul3A_80 : i32
    %add3A_82 = arith.constant 80 : i32
    %add3A_83 = arith.addi %mul3A_81, %add3A_82 : i32
    "tpu.region"() ({
      %run_scoped3A = tpu.sem_alloc : memref<!tpu.dma_semaphore, #tpu.memory_space<semaphore_mem>>
      %dma_start3A_112 = arith.constant 0 : i32
      %dma_start3A_113 = tpu.memref_slice %arg4[%add3A_83, %dma_start3A_112] : memref<2560x128xi32, #tpu.memory_space<hbm>> -> memref<80x128xi32, #tpu.memory_space<hbm>>
      %dma_start3A_114 = arith.constant 0 : i32
      %dma_start3A_115 = tpu.memref_slice %arg4[%add3A_83, %dma_start3A_114] : memref<2560x128xi32, #tpu.memory_space<hbm>> -> memref<80x128xi32, #tpu.memory_space<hbm>>
      tpu.enqueue_dma source(%dma_start3A_115 : memref<80x128xi32, #tpu.memory_space<hbm>>) target(%arg14 : memref<80x128xi32, #tpu.memory_space<vmem>>) target_semaphore(%run_scoped3A : memref<!tpu.dma_semaphore, #tpu.memory_space<semaphore_mem>>)
      %dma_wait3A = arith.constant 0 : i32
      %dma_wait3A_116 = tpu.memref_slice %arg4[%add3A_83, %dma_wait3A] : memref<2560x128xi32, #tpu.memory_space<hbm>> -> memref<80x128xi32, #tpu.memory_space<hbm>>
      %dma_wait3A_117 = arith.constant 0 : i32
      %dma_wait3A_118 = tpu.memref_slice %arg4[%add3A_83, %dma_wait3A_117] : memref<2560x128xi32, #tpu.memory_space<hbm>> -> memref<80x128xi32, #tpu.memory_space<hbm>>
      tpu.wait_dma2 semaphore(%run_scoped3A : memref<!tpu.dma_semaphore, #tpu.memory_space<semaphore_mem>>) src(%dma_wait3A_118 : memref<80x128xi32, #tpu.memory_space<hbm>>) dst(%arg14 : memref<80x128xi32, #tpu.memory_space<vmem>>)
      tpu.yield
    }) : () -> ()
    %add3A_84 = arith.constant 0 : i32
    %add3A_85 = arith.addi %add3A_84, %arg0 : i32
    %add3A_86 = arith.addi %add3A_83, %add3A_85 : i32
    %mul3A_87 = arith.constant 128 : i32
    %mul3A_88 = arith.muli %add3A_86, %mul3A_87 : i32
    %dma_start3A_89 = arith.constant 0 : i32
    %dma_start3A_90 = arith.constant 0 : i32
    %dma_start3A_91 = arith.constant 0 : i32
    %dma_start3A_92 = tpu.memref_slice %arg13[%dma_start3A_89, %dma_start3A_90, %dma_start3A_91] : memref<2x128x128xf32, #tpu.memory_space<vmem>> -> memref<1x128x128xf32, #tpu.memory_space<vmem>>
    %dma_start3A_93 = tpu.memref_squeeze %dma_start3A_92 : memref<1x128x128xf32, #tpu.memory_space<vmem>> -> memref<128x128xf32, #tpu.memory_space<vmem>>
    %dma_start3A_94 = arith.constant 0 : i32
    %dma_start3A_95 = tpu.memref_slice %arg3[%mul3A_88, %dma_start3A_94] : memref<327680x128xf32, #tpu.memory_space<hbm>> -> memref<128x128xf32, #tpu.memory_space<hbm>>
    %dma_start3A_96 = arith.constant 0 : i32
    %dma_start3A_97 = arith.constant 0 : i32
    %dma_start3A_98 = tpu.memref_slice %arg13[%dma_start3A_89, %dma_start3A_96, %dma_start3A_97] : memref<2x128x128xf32, #tpu.memory_space<vmem>> -> memref<1x128x128xf32, #tpu.memory_space<vmem>>
    %dma_start3A_99 = tpu.memref_squeeze %dma_start3A_98 : memref<1x128x128xf32, #tpu.memory_space<vmem>> -> memref<128x128xf32, #tpu.memory_space<vmem>>
    %dma_start3A_100 = arith.constant 0 : i32
    %dma_start3A_101 = tpu.memref_slice %arg3[%mul3A_88, %dma_start3A_100] : memref<327680x128xf32, #tpu.memory_space<hbm>> -> memref<128x128xf32, #tpu.memory_space<hbm>>
    tpu.enqueue_dma source(%dma_start3A_101 : memref<128x128xf32, #tpu.memory_space<hbm>>) target(%dma_start3A_99 : memref<128x128xf32, #tpu.memory_space<vmem>>) target_semaphore(%arg16 : memref<!tpu.dma_semaphore, #tpu.memory_space<semaphore_mem>>)
    %scan3A_102 = arith.constant 0 : i32
    %scan3A_103 = arith.constant 0 : i32
    %scan3A_104 = arith.constant 20 : i32
    %scan3A_105 = arith.addi %scan3A_103, %scan3A_104 : i32
    %scan3A_106 = arith.constant 1 : i32
    scf.for %scan3A_112 = %scan3A_103 to %scan3A_105 step %scan3A_106  : i32 {
      %mul3A_113 = arith.constant 2 : i32
      %mul3A_114 = arith.muli %mul3A_113, %scan3A_112 : i32
      %add3A_115 = arith.constant 1 : i32
      %add3A_116 = arith.addi %mul3A_114, %add3A_115 : i32
      %mul3A_117 = arith.constant 2 : i32
      %mul3A_118 = arith.muli %mul3A_117, %add3A_116 : i32
      %add3A_119 = arith.addi %mul3A_118, %arg0 : i32
      %add3A_120 = arith.addi %add3A_83, %add3A_119 : i32
      %mul3A_121 = arith.constant 128 : i32
      %mul3A_122 = arith.muli %add3A_120, %mul3A_121 : i32
      %dma_start3A_123 = arith.constant 1 : i32
      %dma_start3A_124 = arith.constant 0 : i32
      %dma_start3A_125 = arith.constant 0 : i32
      %dma_start3A_126 = tpu.memref_slice %arg13[%dma_start3A_123, %dma_start3A_124, %dma_start3A_125] : memref<2x128x128xf32, #tpu.memory_space<vmem>> -> memref<1x128x128xf32, #tpu.memory_space<vmem>>
      %dma_start3A_127 = tpu.memref_squeeze %dma_start3A_126 : memref<1x128x128xf32, #tpu.memory_space<vmem>> -> memref<128x128xf32, #tpu.memory_space<vmem>>
      %dma_start3A_128 = arith.constant 0 : i32
      %dma_start3A_129 = tpu.memref_slice %arg3[%mul3A_122, %dma_start3A_128] : memref<327680x128xf32, #tpu.memory_space<hbm>> -> memref<128x128xf32, #tpu.memory_space<hbm>>
      %dma_start3A_130 = arith.constant 0 : i32
      %dma_start3A_131 = arith.constant 0 : i32
      %dma_start3A_132 = tpu.memref_slice %arg13[%dma_start3A_123, %dma_start3A_130, %dma_start3A_131] : memref<2x128x128xf32, #tpu.memory_space<vmem>> -> memref<1x128x128xf32, #tpu.memory_space<vmem>>
      %dma_start3A_133 = tpu.memref_squeeze %dma_start3A_132 : memref<1x128x128xf32, #tpu.memory_space<vmem>> -> memref<128x128xf32, #tpu.memory_space<vmem>>
      %dma_start3A_134 = arith.constant 0 : i32
      %dma_start3A_135 = tpu.memref_slice %arg3[%mul3A_122, %dma_start3A_134] : memref<327680x128xf32, #tpu.memory_space<hbm>> -> memref<128x128xf32, #tpu.memory_space<hbm>>
      tpu.enqueue_dma source(%dma_start3A_135 : memref<128x128xf32, #tpu.memory_space<hbm>>) target(%dma_start3A_133 : memref<128x128xf32, #tpu.memory_space<vmem>>) target_semaphore(%arg17 : memref<!tpu.dma_semaphore, #tpu.memory_space<semaphore_mem>>)
      %dma_wait3A = arith.constant 0 : i32
      %dma_wait3A_136 = arith.constant 0 : i32
      %dma_wait3A_137 = arith.constant 0 : i32
      %dma_wait3A_138 = tpu.memref_slice %arg13[%dma_wait3A, %dma_wait3A_136, %dma_wait3A_137] : memref<2x128x128xf32, #tpu.memory_space<vmem>> -> memref<1x128x128xf32, #tpu.memory_space<vmem>>
      %dma_wait3A_139 = tpu.memref_squeeze %dma_wait3A_138 : memref<1x128x128xf32, #tpu.memory_space<vmem>> -> memref<128x128xf32, #tpu.memory_space<vmem>>
      %dma_wait3A_140 = arith.constant 0 : i32
      %dma_wait3A_141 = arith.constant 0 : i32
      %dma_wait3A_142 = tpu.memref_slice %arg3[%dma_wait3A_140, %dma_wait3A_141] : memref<327680x128xf32, #tpu.memory_space<hbm>> -> memref<128x128xf32, #tpu.memory_space<hbm>>
      %dma_wait3A_143 = arith.constant 0 : i32
      %dma_wait3A_144 = arith.constant 0 : i32
      %dma_wait3A_145 = tpu.memref_slice %arg13[%dma_wait3A, %dma_wait3A_143, %dma_wait3A_144] : memref<2x128x128xf32, #tpu.memory_space<vmem>> -> memref<1x128x128xf32, #tpu.memory_space<vmem>>
      %dma_wait3A_146 = tpu.memref_squeeze %dma_wait3A_145 : memref<1x128x128xf32, #tpu.memory_space<vmem>> -> memref<128x128xf32, #tpu.memory_space<vmem>>
      %dma_wait3A_147 = arith.constant 0 : i32
      %dma_wait3A_148 = arith.constant 0 : i32
      %dma_wait3A_149 = tpu.memref_slice %arg3[%dma_wait3A_147, %dma_wait3A_148] : memref<327680x128xf32, #tpu.memory_space<hbm>> -> memref<128x128xf32, #tpu.memory_space<hbm>>
      tpu.wait_dma2 semaphore(%arg16 : memref<!tpu.dma_semaphore, #tpu.memory_space<semaphore_mem>>) src(%dma_wait3A_149 : memref<128x128xf32, #tpu.memory_space<hbm>>) dst(%dma_wait3A_146 : memref<128x128xf32, #tpu.memory_space<vmem>>)
      %mul3A_150 = arith.constant 2 : i32
      %mul3A_151 = arith.muli %mul3A_150, %mul3A_114 : i32
      %add3A_152 = arith.addi %mul3A_151, %arg0 : i32
      %run_scoped3A = arith.constant 0 : i32
      "tpu.region"() ({
        %run_scoped3A_176 = tpu.sem_alloc : memref<!tpu.dma_semaphore, #tpu.memory_space<semaphore_mem>>
        %dma_start3A_177 = arith.constant 0 : i32
        %dma_start3A_178 = arith.constant 0 : i32
        %dma_start3A_179 = tpu.memref_slice %arg13[%run_scoped3A, %dma_start3A_177, %dma_start3A_178] : memref<2x128x128xf32, #tpu.memory_space<vmem>> -> memref<1x128x128xf32, #tpu.memory_space<vmem>>
        %dma_start3A_180 = tpu.memref_squeeze %dma_start3A_179 : memref<1x128x128xf32, #tpu.memory_space<vmem>> -> memref<128x128xf32, #tpu.memory_space<vmem>>
        %dma_start3A_181 = arith.constant 0 : i32
        %dma_start3A_182 = tpu.memref_slice %arg14[%add3A_152, %dma_start3A_181] : memref<80x128xi32, #tpu.memory_space<vmem>> -> memref<1x128xi32, #tpu.memory_space<vmem>>
        %dma_start3A_183 = tpu.memref_squeeze %dma_start3A_182 : memref<1x128xi32, #tpu.memory_space<vmem>> -> memref<128xi32, #tpu.memory_space<vmem>>
        %dma_start3A_184 = arith.constant 0 : i32
        %dma_start3A_185 = arith.constant 0 : i32
        %dma_start3A_186 = tpu.memref_slice %arg11[%dma_start3A_184, %dma_start3A_185] : memref<10240x128xf32, #tpu.memory_space<vmem_shared>> -> memref<10240x128xf32, #tpu.memory_space<vmem_shared>>
        tpu.enqueue_indirect_dma source(%dma_start3A_180 : memref<128x128xf32, #tpu.memory_space<vmem>>) target(%dma_start3A_186 : memref<10240x128xf32, #tpu.memory_space<vmem_shared>>) offsets(%dma_start3A_183 : memref<128xi32, #tpu.memory_space<vmem>>) semaphore(%run_scoped3A_176 : memref<!tpu.dma_semaphore, #tpu.memory_space<semaphore_mem>>) {add = true}
        %dma_wait3A_187 = arith.constant 0 : i32
        %dma_wait3A_188 = arith.constant 0 : i32
        %dma_wait3A_189 = tpu.memref_slice %arg13[%run_scoped3A, %dma_wait3A_187, %dma_wait3A_188] : memref<2x128x128xf32, #tpu.memory_space<vmem>> -> memref<1x128x128xf32, #tpu.memory_space<vmem>>
        %dma_wait3A_190 = tpu.memref_squeeze %dma_wait3A_189 : memref<1x128x128xf32, #tpu.memory_space<vmem>> -> memref<128x128xf32, #tpu.memory_space<vmem>>
        %dma_wait3A_191 = arith.constant 0 : i32
        %dma_wait3A_192 = tpu.memref_slice %arg14[%add3A_152, %dma_wait3A_191] : memref<80x128xi32, #tpu.memory_space<vmem>> -> memref<1x128xi32, #tpu.memory_space<vmem>>
        %dma_wait3A_193 = tpu.memref_squeeze %dma_wait3A_192 : memref<1x128xi32, #tpu.memory_space<vmem>> -> memref<128xi32, #tpu.memory_space<vmem>>
        %dma_wait3A_194 = arith.constant 0 : i32
        %dma_wait3A_195 = arith.constant 0 : i32
        %dma_wait3A_196 = tpu.memref_slice %arg11[%dma_wait3A_194, %dma_wait3A_195] : memref<10240x128xf32, #tpu.memory_space<vmem_shared>> -> memref<10240x128xf32, #tpu.memory_space<vmem_shared>>
        tpu.wait_indirect_dma semaphore(%run_scoped3A_176 : memref<!tpu.dma_semaphore, #tpu.memory_space<semaphore_mem>>) src(%dma_wait3A_190 : memref<128x128xf32, #tpu.memory_space<vmem>>) dst(%dma_wait3A_196 : memref<10240x128xf32, #tpu.memory_space<vmem_shared>>)
        tpu.yield
      }) : () -> ()
      "tpu.region"() ({
        %run_scoped3A_176 = tpu.sem_alloc : memref<!tpu.dma_semaphore, #tpu.memory_space<semaphore_mem>>
        %dma_start3A_177 = arith.constant 0 : i32
        %dma_start3A_178 = tpu.memref_slice %arg14[%add3A_152, %dma_start3A_177] : memref<80x128xi32, #tpu.memory_space<vmem>> -> memref<1x128xi32, #tpu.memory_space<vmem>>
        %dma_start3A_179 = tpu.memref_squeeze %dma_start3A_178 : memref<1x128xi32, #tpu.memory_space<vmem>> -> memref<128xi32, #tpu.memory_space<vmem>>
        %dma_start3A_180 = arith.constant 0 : i32
        %dma_start3A_181 = tpu.memref_slice %arg12[%dma_start3A_180] : memref<10240xf32, #tpu.memory_space<vmem_shared>> -> memref<10240xf32, #tpu.memory_space<vmem_shared>>
        tpu.enqueue_indirect_dma source(%arg15 : memref<128xf32, #tpu.memory_space<vmem>>) target(%dma_start3A_181 : memref<10240xf32, #tpu.memory_space<vmem_shared>>) offsets(%dma_start3A_179 : memref<128xi32, #tpu.memory_space<vmem>>) semaphore(%run_scoped3A_176 : memref<!tpu.dma_semaphore, #tpu.memory_space<semaphore_mem>>) {add = true}
        %dma_wait3A_182 = arith.constant 0 : i32
        %dma_wait3A_183 = tpu.memref_slice %arg14[%add3A_152, %dma_wait3A_182] : memref<80x128xi32, #tpu.memory_space<vmem>> -> memref<1x128xi32, #tpu.memory_space<vmem>>
        %dma_wait3A_184 = tpu.memref_squeeze %dma_wait3A_183 : memref<1x128xi32, #tpu.memory_space<vmem>> -> memref<128xi32, #tpu.memory_space<vmem>>
        %dma_wait3A_185 = arith.constant 0 : i32
        %dma_wait3A_186 = tpu.memref_slice %arg12[%dma_wait3A_185] : memref<10240xf32, #tpu.memory_space<vmem_shared>> -> memref<10240xf32, #tpu.memory_space<vmem_shared>>
        tpu.wait_indirect_dma semaphore(%run_scoped3A_176 : memref<!tpu.dma_semaphore, #tpu.memory_space<semaphore_mem>>) src(%arg15 : memref<128xf32, #tpu.memory_space<vmem>>) dst(%dma_wait3A_186 : memref<10240xf32, #tpu.memory_space<vmem_shared>>)
        tpu.yield
      }) : () -> ()
      %add3A_153 = arith.constant 2 : i32
      %add3A_154 = arith.addi %mul3A_114, %add3A_153 : i32
      %lt3A = arith.constant 40 : i32
      %lt3A_155 = arith.cmpi slt, %add3A_154, %lt3A : i32
      %convert_element_type3A = arith.extui %lt3A_155 : i1 to i32
      %cond3A = arith.constant 0 : i32
      %cond3A_156 = arith.cmpi ne, %convert_element_type3A, %cond3A : i32
      scf.if %cond3A_156 {
        %add3A_176 = arith.constant 2 : i32
        %add3A_177 = arith.addi %mul3A_114, %add3A_176 : i32
        %mul3A_178 = arith.constant 2 : i32
        %mul3A_179 = arith.muli %mul3A_178, %add3A_177 : i32
        %add3A_180 = arith.addi %mul3A_179, %arg0 : i32
        %add3A_181 = arith.addi %add3A_83, %add3A_180 : i32
        %mul3A_182 = arith.constant 128 : i32
        %mul3A_183 = arith.muli %add3A_181, %mul3A_182 : i32
        %dma_start3A_184 = arith.constant 0 : i32
        %dma_start3A_185 = arith.constant 0 : i32
        %dma_start3A_186 = arith.constant 0 : i32
        %dma_start3A_187 = tpu.memref_slice %arg13[%dma_start3A_184, %dma_start3A_185, %dma_start3A_186] : memref<2x128x128xf32, #tpu.memory_space<vmem>> -> memref<1x128x128xf32, #tpu.memory_space<vmem>>
        %dma_start3A_188 = tpu.memref_squeeze %dma_start3A_187 : memref<1x128x128xf32, #tpu.memory_space<vmem>> -> memref<128x128xf32, #tpu.memory_space<vmem>>
        %dma_start3A_189 = arith.constant 0 : i32
        %dma_start3A_190 = tpu.memref_slice %arg3[%mul3A_183, %dma_start3A_189] : memref<327680x128xf32, #tpu.memory_space<hbm>> -> memref<128x128xf32, #tpu.memory_space<hbm>>
        %dma_start3A_191 = arith.constant 0 : i32
        %dma_start3A_192 = arith.constant 0 : i32
        %dma_start3A_193 = tpu.memref_slice %arg13[%dma_start3A_184, %dma_start3A_191, %dma_start3A_192] : memref<2x128x128xf32, #tpu.memory_space<vmem>> -> memref<1x128x128xf32, #tpu.memory_space<vmem>>
        %dma_start3A_194 = tpu.memref_squeeze %dma_start3A_193 : memref<1x128x128xf32, #tpu.memory_space<vmem>> -> memref<128x128xf32, #tpu.memory_space<vmem>>
        %dma_start3A_195 = arith.constant 0 : i32
        %dma_start3A_196 = tpu.memref_slice %arg3[%mul3A_183, %dma_start3A_195] : memref<327680x128xf32, #tpu.memory_space<hbm>> -> memref<128x128xf32, #tpu.memory_space<hbm>>
        tpu.enqueue_dma source(%dma_start3A_196 : memref<128x128xf32, #tpu.memory_space<hbm>>) target(%dma_start3A_194 : memref<128x128xf32, #tpu.memory_space<vmem>>) target_semaphore(%arg16 : memref<!tpu.dma_semaphore, #tpu.memory_space<semaphore_mem>>)
      } else {
      }
      %dma_wait3A_157 = arith.constant 1 : i32
      %dma_wait3A_158 = arith.constant 0 : i32
      %dma_wait3A_159 = arith.constant 0 : i32
      %dma_wait3A_160 = tpu.memref_slice %arg13[%dma_wait3A_157, %dma_wait3A_158, %dma_wait3A_159] : memref<2x128x128xf32, #tpu.memory_space<vmem>> -> memref<1x128x128xf32, #tpu.memory_space<vmem>>
      %dma_wait3A_161 = tpu.memref_squeeze %dma_wait3A_160 : memref<1x128x128xf32, #tpu.memory_space<vmem>> -> memref<128x128xf32, #tpu.memory_space<vmem>>
      %dma_wait3A_162 = arith.constant 0 : i32
      %dma_wait3A_163 = arith.constant 0 : i32
      %dma_wait3A_164 = tpu.memref_slice %arg3[%dma_wait3A_162, %dma_wait3A_163] : memref<327680x128xf32, #tpu.memory_space<hbm>> -> memref<128x128xf32, #tpu.memory_space<hbm>>
      %dma_wait3A_165 = arith.constant 0 : i32
      %dma_wait3A_166 = arith.constant 0 : i32
      %dma_wait3A_167 = tpu.memref_slice %arg13[%dma_wait3A_157, %dma_wait3A_165, %dma_wait3A_166] : memref<2x128x128xf32, #tpu.memory_space<vmem>> -> memref<1x128x128xf32, #tpu.memory_space<vmem>>
      %dma_wait3A_168 = tpu.memref_squeeze %dma_wait3A_167 : memref<1x128x128xf32, #tpu.memory_space<vmem>> -> memref<128x128xf32, #tpu.memory_space<vmem>>
      %dma_wait3A_169 = arith.constant 0 : i32
      %dma_wait3A_170 = arith.constant 0 : i32
      %dma_wait3A_171 = tpu.memref_slice %arg3[%dma_wait3A_169, %dma_wait3A_170] : memref<327680x128xf32, #tpu.memory_space<hbm>> -> memref<128x128xf32, #tpu.memory_space<hbm>>
      tpu.wait_dma2 semaphore(%arg17 : memref<!tpu.dma_semaphore, #tpu.memory_space<semaphore_mem>>) src(%dma_wait3A_171 : memref<128x128xf32, #tpu.memory_space<hbm>>) dst(%dma_wait3A_168 : memref<128x128xf32, #tpu.memory_space<vmem>>)
      %mul3A_172 = arith.constant 2 : i32
      %mul3A_173 = arith.muli %mul3A_172, %add3A_116 : i32
      %add3A_174 = arith.addi %mul3A_173, %arg0 : i32
      %run_scoped3A_175 = arith.constant 1 : i32
      "tpu.region"() ({
        %run_scoped3A_176 = tpu.sem_alloc : memref<!tpu.dma_semaphore, #tpu.memory_space<semaphore_mem>>
        %dma_start3A_177 = arith.constant 0 : i32
        %dma_start3A_178 = arith.constant 0 : i32
        %dma_start3A_179 = tpu.memref_slice %arg13[%run_scoped3A_175, %dma_start3A_177, %dma_start3A_178] : memref<2x128x128xf32, #tpu.memory_space<vmem>> -> memref<1x128x128xf32, #tpu.memory_space<vmem>>
        %dma_start3A_180 = tpu.memref_squeeze %dma_start3A_179 : memref<1x128x128xf32, #tpu.memory_space<vmem>> -> memref<128x128xf32, #tpu.memory_space<vmem>>
        %dma_start3A_181 = arith.constant 0 : i32
        %dma_start3A_182 = tpu.memref_slice %arg14[%add3A_174, %dma_start3A_181] : memref<80x128xi32, #tpu.memory_space<vmem>> -> memref<1x128xi32, #tpu.memory_space<vmem>>
        %dma_start3A_183 = tpu.memref_squeeze %dma_start3A_182 : memref<1x128xi32, #tpu.memory_space<vmem>> -> memref<128xi32, #tpu.memory_space<vmem>>
        %dma_start3A_184 = arith.constant 0 : i32
        %dma_start3A_185 = arith.constant 0 : i32
        %dma_start3A_186 = tpu.memref_slice %arg11[%dma_start3A_184, %dma_start3A_185] : memref<10240x128xf32, #tpu.memory_space<vmem_shared>> -> memref<10240x128xf32, #tpu.memory_space<vmem_shared>>
        tpu.enqueue_indirect_dma source(%dma_start3A_180 : memref<128x128xf32, #tpu.memory_space<vmem>>) target(%dma_start3A_186 : memref<10240x128xf32, #tpu.memory_space<vmem_shared>>) offsets(%dma_start3A_183 : memref<128xi32, #tpu.memory_space<vmem>>) semaphore(%run_scoped3A_176 : memref<!tpu.dma_semaphore, #tpu.memory_space<semaphore_mem>>) {add = true}
        %dma_wait3A_187 = arith.constant 0 : i32
        %dma_wait3A_188 = arith.constant 0 : i32
        %dma_wait3A_189 = tpu.memref_slice %arg13[%run_scoped3A_175, %dma_wait3A_187, %dma_wait3A_188] : memref<2x128x128xf32, #tpu.memory_space<vmem>> -> memref<1x128x128xf32, #tpu.memory_space<vmem>>
        %dma_wait3A_190 = tpu.memref_squeeze %dma_wait3A_189 : memref<1x128x128xf32, #tpu.memory_space<vmem>> -> memref<128x128xf32, #tpu.memory_space<vmem>>
        %dma_wait3A_191 = arith.constant 0 : i32
        %dma_wait3A_192 = tpu.memref_slice %arg14[%add3A_174, %dma_wait3A_191] : memref<80x128xi32, #tpu.memory_space<vmem>> -> memref<1x128xi32, #tpu.memory_space<vmem>>
        %dma_wait3A_193 = tpu.memref_squeeze %dma_wait3A_192 : memref<1x128xi32, #tpu.memory_space<vmem>> -> memref<128xi32, #tpu.memory_space<vmem>>
        %dma_wait3A_194 = arith.constant 0 : i32
        %dma_wait3A_195 = arith.constant 0 : i32
        %dma_wait3A_196 = tpu.memref_slice %arg11[%dma_wait3A_194, %dma_wait3A_195] : memref<10240x128xf32, #tpu.memory_space<vmem_shared>> -> memref<10240x128xf32, #tpu.memory_space<vmem_shared>>
        tpu.wait_indirect_dma semaphore(%run_scoped3A_176 : memref<!tpu.dma_semaphore, #tpu.memory_space<semaphore_mem>>) src(%dma_wait3A_190 : memref<128x128xf32, #tpu.memory_space<vmem>>) dst(%dma_wait3A_196 : memref<10240x128xf32, #tpu.memory_space<vmem_shared>>)
        tpu.yield
      }) : () -> ()
      "tpu.region"() ({
        %run_scoped3A_176 = tpu.sem_alloc : memref<!tpu.dma_semaphore, #tpu.memory_space<semaphore_mem>>
        %dma_start3A_177 = arith.constant 0 : i32
        %dma_start3A_178 = tpu.memref_slice %arg14[%add3A_174, %dma_start3A_177] : memref<80x128xi32, #tpu.memory_space<vmem>> -> memref<1x128xi32, #tpu.memory_space<vmem>>
        %dma_start3A_179 = tpu.memref_squeeze %dma_start3A_178 : memref<1x128xi32, #tpu.memory_space<vmem>> -> memref<128xi32, #tpu.memory_space<vmem>>
        %dma_start3A_180 = arith.constant 0 : i32
        %dma_start3A_181 = tpu.memref_slice %arg12[%dma_start3A_180] : memref<10240xf32, #tpu.memory_space<vmem_shared>> -> memref<10240xf32, #tpu.memory_space<vmem_shared>>
        tpu.enqueue_indirect_dma source(%arg15 : memref<128xf32, #tpu.memory_space<vmem>>) target(%dma_start3A_181 : memref<10240xf32, #tpu.memory_space<vmem_shared>>) offsets(%dma_start3A_179 : memref<128xi32, #tpu.memory_space<vmem>>) semaphore(%run_scoped3A_176 : memref<!tpu.dma_semaphore, #tpu.memory_space<semaphore_mem>>) {add = true}
        %dma_wait3A_182 = arith.constant 0 : i32
        %dma_wait3A_183 = tpu.memref_slice %arg14[%add3A_174, %dma_wait3A_182] : memref<80x128xi32, #tpu.memory_space<vmem>> -> memref<1x128xi32, #tpu.memory_space<vmem>>
        %dma_wait3A_184 = tpu.memref_squeeze %dma_wait3A_183 : memref<1x128xi32, #tpu.memory_space<vmem>> -> memref<128xi32, #tpu.memory_space<vmem>>
        %dma_wait3A_185 = arith.constant 0 : i32
        %dma_wait3A_186 = tpu.memref_slice %arg12[%dma_wait3A_185] : memref<10240xf32, #tpu.memory_space<vmem_shared>> -> memref<10240xf32, #tpu.memory_space<vmem_shared>>
        tpu.wait_indirect_dma semaphore(%run_scoped3A_176 : memref<!tpu.dma_semaphore, #tpu.memory_space<semaphore_mem>>) src(%arg15 : memref<128xf32, #tpu.memory_space<vmem>>) dst(%dma_wait3A_186 : memref<10240xf32, #tpu.memory_space<vmem_shared>>)
        tpu.yield
      }) : () -> ()
    }
    %scan3A_107 = arith.constant 20 : i32
    %barrier3A_108 = arith.constant 0 : index
    tpu.barrier barrier_id(%barrier3A_108)
    "tpu.region"() ({
      %run_scoped3A = tpu.sem_alloc : memref<!tpu.dma_semaphore, #tpu.memory_space<semaphore_mem>>
      %dma_start3A_112 = arith.constant 0 : i32
      %dma_start3A_113 = tpu.memref_slice %arg10[%arg0, %mul3A_0, %dma_start3A_112] : memref<2x10240x128xf32, #tpu.memory_space<hbm>> -> memref<1x640x128xf32, #tpu.memory_space<hbm>>
      %dma_start3A_114 = tpu.memref_squeeze %dma_start3A_113 : memref<1x640x128xf32, #tpu.memory_space<hbm>> -> memref<640x128xf32, #tpu.memory_space<hbm>>
      %dma_start3A_115 = arith.constant 0 : i32
      %dma_start3A_116 = tpu.memref_slice %arg11[%mul3A_0, %dma_start3A_115] : memref<10240x128xf32, #tpu.memory_space<vmem_shared>> -> memref<640x128xf32, #tpu.memory_space<vmem_shared>>
      tpu.enqueue_dma source(%dma_start3A_116 : memref<640x128xf32, #tpu.memory_space<vmem_shared>>) target(%dma_start3A_114 : memref<640x128xf32, #tpu.memory_space<hbm>>) target_semaphore(%run_scoped3A : memref<!tpu.dma_semaphore, #tpu.memory_space<semaphore_mem>>)
      %dma_wait3A = arith.constant 0 : i32
      %dma_wait3A_117 = tpu.memref_slice %arg10[%arg0, %mul3A_0, %dma_wait3A] : memref<2x10240x128xf32, #tpu.memory_space<hbm>> -> memref<1x640x128xf32, #tpu.memory_space<hbm>>
      %dma_wait3A_118 = tpu.memref_squeeze %dma_wait3A_117 : memref<1x640x128xf32, #tpu.memory_space<hbm>> -> memref<640x128xf32, #tpu.memory_space<hbm>>
      %dma_wait3A_119 = arith.constant 0 : i32
      %dma_wait3A_120 = tpu.memref_slice %arg11[%mul3A_0, %dma_wait3A_119] : memref<10240x128xf32, #tpu.memory_space<vmem_shared>> -> memref<640x128xf32, #tpu.memory_space<vmem_shared>>
      tpu.wait_dma2 semaphore(%run_scoped3A : memref<!tpu.dma_semaphore, #tpu.memory_space<semaphore_mem>>) src(%dma_wait3A_120 : memref<640x128xf32, #tpu.memory_space<vmem_shared>>) dst(%dma_wait3A_118 : memref<640x128xf32, #tpu.memory_space<hbm>>)
      tpu.yield
    }) : () -> ()
    %mul3A_109 = arith.constant 10240 : i32
    %mul3A_110 = arith.muli %arg0, %mul3A_109 : i32
    %add3A_111 = arith.addi %mul3A_110, %mul3A_0 : i32
    "tpu.region"() ({
      %run_scoped3A = tpu.sem_alloc : memref<!tpu.dma_semaphore, #tpu.memory_space<semaphore_mem>>
      %dma_start3A_112 = tpu.memref_slice %arg9[%add3A_111] : memref<20480xf32, #tpu.memory_space<hbm>> -> memref<640xf32, #tpu.memory_space<hbm>>
      %dma_start3A_113 = tpu.memref_slice %arg12[%mul3A_0] : memref<10240xf32, #tpu.memory_space<vmem_shared>> -> memref<640xf32, #tpu.memory_space<vmem_shared>>
      tpu.enqueue_dma source(%dma_start3A_113 : memref<640xf32, #tpu.memory_space<vmem_shared>>) target(%dma_start3A_112 : memref<640xf32, #tpu.memory_space<hbm>>) target_semaphore(%run_scoped3A : memref<!tpu.dma_semaphore, #tpu.memory_space<semaphore_mem>>)
      %dma_wait3A = tpu.memref_slice %arg9[%add3A_111] : memref<20480xf32, #tpu.memory_space<hbm>> -> memref<640xf32, #tpu.memory_space<hbm>>
      %dma_wait3A_114 = tpu.memref_slice %arg12[%mul3A_0] : memref<10240xf32, #tpu.memory_space<vmem_shared>> -> memref<640xf32, #tpu.memory_space<vmem_shared>>
      tpu.wait_dma2 semaphore(%run_scoped3A : memref<!tpu.dma_semaphore, #tpu.memory_space<semaphore_mem>>) src(%dma_wait3A_114 : memref<640xf32, #tpu.memory_space<vmem_shared>>) dst(%dma_wait3A : memref<640xf32, #tpu.memory_space<hbm>>)
      tpu.yield
    }) : () -> ()
    return
  }
}

module attributes {stable_mosaic.version = 14 : i64} {
  func.func @_edge_body(%arg0: i32, %arg1: memref<2560x16xf32, #tpu.memory_space<vmem>>, %arg2: memref<1x32xf32, #tpu.memory_space<vmem>>, %arg3: memref<16x256xf32, #tpu.memory_space<vmem>>, %arg4: memref<1x256xf32, #tpu.memory_space<vmem>>, %arg5: memref<256x128xf32, #tpu.memory_space<vmem>>, %arg6: memref<32x128xf32, #tpu.memory_space<vmem>>, %arg7: memref<1x128xf32, #tpu.memory_space<vmem>>, %arg8: memref<1xi32, #tpu.memory_space<smem>>, %arg9: memref<2560x256xf32, #tpu.memory_space<vmem>>, %arg10: memref<2560x128xf32, #tpu.memory_space<vmem>>, %arg11: memref<1x128xf32, #tpu.memory_space<vmem>>) attributes {dimension_semantics = [#tpu.dimension_semantics<arbitrary>], iteration_bounds = array<i64: 128>, scalar_prefetch = 0 : i64, scratch_operands = 0 : i64, tpu.core_type = #tpu.core_type<tc>, window_params = [{transform_indices = @transform_0, window_bounds = array<i64: 2560, 16>}, {pipeline_mode = #tpu.pipeline_mode<synchronous>, transform_indices = @transform_1, window_bounds = array<i64: 1, 32>}, {pipeline_mode = #tpu.pipeline_mode<synchronous>, transform_indices = @transform_2, window_bounds = array<i64: 16, 256>}, {pipeline_mode = #tpu.pipeline_mode<synchronous>, transform_indices = @transform_3, window_bounds = array<i64: 1, 256>}, {pipeline_mode = #tpu.pipeline_mode<synchronous>, transform_indices = @transform_4, window_bounds = array<i64: 256, 128>}, {pipeline_mode = #tpu.pipeline_mode<synchronous>, transform_indices = @transform_5, window_bounds = array<i64: 32, 128>}, {pipeline_mode = #tpu.pipeline_mode<synchronous>, transform_indices = @transform_6, window_bounds = array<i64: 1, 128>}, {transform_indices = @transform_7, window_bounds = array<i64: 1>}, {transform_indices = @transform_8, window_bounds = array<i64: 2560, 256>}, {transform_indices = @transform_9, window_bounds = array<i64: 2560, 128>}, {pipeline_mode = #tpu.pipeline_mode<synchronous>, transform_indices = @transform_10, window_bounds = array<i64: 1, 128>}]} {
    %get3A = arith.constant 0 : index
    %get3A_0 = arith.constant 0 : index
    %get3A_1 = vector.load %arg1[%get3A, %get3A_0] : memref<2560x16xf32, #tpu.memory_space<vmem>>, vector<2560x16xf32>
    %get3A_2 = arith.constant 0 : index
    %get3A_3 = arith.constant 0 : index
    %get3A_4 = vector.load %arg3[%get3A_2, %get3A_3] : memref<16x256xf32, #tpu.memory_space<vmem>>, vector<16x256xf32>
    %dot_general3A = arith.constant dense<0.000000e+00> : vector<2560x256xf32>
    %dot_general3A_5 = tpu.matmul %get3A_1, %get3A_4, %dot_general3A {dimension_numbers = #tpu.dot_dimension_numbers<[1], [0], [0], [1], [0, 0, 1, 1], [], []>, transpose_lhs_hint = false} : vector<2560x16xf32>, vector<16x256xf32>, vector<2560x256xf32> -> vector<2560x256xf32>
    %get3A_6 = arith.constant 0 : index
    %get3A_7 = arith.constant 0 : index
    %get3A_8 = vector.load %arg4[%get3A_6, %get3A_7] : memref<1x256xf32, #tpu.memory_space<vmem>>, vector<1x256xf32>
    %add3A = vector.broadcast %get3A_8 : vector<1x256xf32> to vector<2560x256xf32>
    %add3A_9 = arith.addf %dot_general3A_5, %add3A : vector<2560x256xf32>
    %max3A = arith.constant 0.000000e+00 : f32
    %max3A_10 = vector.broadcast %max3A : f32 to vector<2560x256xf32>
    %max3A_11 = arith.maximumf %add3A_9, %max3A_10 : vector<2560x256xf32>
    %get3A_12 = arith.constant 0 : index
    %get3A_13 = arith.constant 0 : index
    %get3A_14 = vector.load %arg2[%get3A_12, %get3A_13] : memref<1x32xf32, #tpu.memory_space<vmem>>, vector<1x32xf32>
    %get3A_15 = arith.constant 0 : index
    %get3A_16 = arith.constant 0 : index
    %get3A_17 = vector.load %arg6[%get3A_15, %get3A_16] : memref<32x128xf32, #tpu.memory_space<vmem>>, vector<32x128xf32>
    %dot_general3A_18 = arith.constant dense<0.000000e+00> : vector<1x128xf32>
    %dot_general3A_19 = tpu.matmul %get3A_14, %get3A_17, %dot_general3A_18 {dimension_numbers = #tpu.dot_dimension_numbers<[1], [0], [0], [1], [0, 0, 1, 1], [], []>, transpose_lhs_hint = false} : vector<1x32xf32>, vector<32x128xf32>, vector<1x128xf32> -> vector<1x128xf32>
    %get3A_20 = arith.constant 0 : index
    %get3A_21 = arith.constant 0 : index
    %get3A_22 = vector.load %arg7[%get3A_20, %get3A_21] : memref<1x128xf32, #tpu.memory_space<vmem>>, vector<1x128xf32>
    %add3A_23 = arith.addf %dot_general3A_19, %get3A_22 : vector<1x128xf32>
    %get3A_24 = arith.constant 0 : index
    %get3A_25 = arith.constant 0 : index
    %get3A_26 = vector.load %arg5[%get3A_24, %get3A_25] : memref<256x128xf32, #tpu.memory_space<vmem>>, vector<256x128xf32>
    %dot_general3A_27 = arith.constant dense<0.000000e+00> : vector<2560x128xf32>
    %dot_general3A_28 = tpu.matmul %max3A_11, %get3A_26, %dot_general3A_27 {dimension_numbers = #tpu.dot_dimension_numbers<[1], [0], [0], [1], [0, 0, 1, 1], [], []>, transpose_lhs_hint = false} : vector<2560x256xf32>, vector<256x128xf32>, vector<2560x128xf32> -> vector<2560x128xf32>
    %add3A_29 = vector.broadcast %add3A_23 : vector<1x128xf32> to vector<2560x128xf32>
    %add3A_30 = arith.addf %dot_general3A_28, %add3A_29 : vector<2560x128xf32>
    %max3A_31 = arith.constant 0.000000e+00 : f32
    %max3A_32 = vector.broadcast %max3A_31 : f32 to vector<2560x128xf32>
    %max3A_33 = arith.maximumf %add3A_30, %max3A_32 : vector<2560x128xf32>
    %swap3A = arith.constant 0 : index
    %swap3A_34 = arith.constant 0 : index
    %swap3A_35 = vector.load %arg9[%swap3A, %swap3A_34] : memref<2560x256xf32, #tpu.memory_space<vmem>>, vector<2560x256xf32>
    tpu.vector_store %arg9[%swap3A, %swap3A_34], %max3A_11 {strides = array<i32>} : memref<2560x256xf32, #tpu.memory_space<vmem>>, vector<2560x256xf32>,
    %swap3A_36 = arith.constant 0 : index
    %swap3A_37 = arith.constant 0 : index
    %swap3A_38 = vector.load %arg10[%swap3A_36, %swap3A_37] : memref<2560x128xf32, #tpu.memory_space<vmem>>, vector<2560x128xf32>
    tpu.vector_store %arg10[%swap3A_36, %swap3A_37], %max3A_33 {strides = array<i32>} : memref<2560x128xf32, #tpu.memory_space<vmem>>, vector<2560x128xf32>,
    %eq3A = arith.constant 0 : i32
    %eq3A_39 = arith.cmpi eq, %arg0, %eq3A : i32
    %convert_element_type3A = arith.extui %eq3A_39 : i1 to i32
    %cond3A = arith.constant 0 : i32
    %cond3A_40 = arith.cmpi ne, %convert_element_type3A, %cond3A : i32
    scf.if %cond3A_40 {
      %broadcast_in_dim3A_62 = arith.constant 0.000000e+00 : f32
      %broadcast_in_dim3A_63 = vector.broadcast %broadcast_in_dim3A_62 : f32 to vector<1x128xf32>
      %swap3A_64 = arith.constant 0 : index
      %swap3A_65 = arith.constant 0 : index
      %swap3A_66 = vector.load %arg11[%swap3A_64, %swap3A_65] : memref<1x128xf32, #tpu.memory_space<vmem>>, vector<1x128xf32>
      tpu.vector_store %arg11[%swap3A_64, %swap3A_65], %broadcast_in_dim3A_63 {strides = array<i32>} : memref<1x128xf32, #tpu.memory_space<vmem>>, vector<1x128xf32>,
    } else {
    }
    %get3A_41 = arith.constant 0 : index
    %get3A_42 = memref.load %arg8[%get3A_41] : memref<1xi32, #tpu.memory_space<smem>>
    %mul3A = arith.constant 327680 : i32
    %mul3A_43 = arith.muli %get3A_42, %mul3A : i32
    %mul3A_44 = arith.constant 2560 : i32
    %mul3A_45 = arith.muli %arg0, %mul3A_44 : i32
    %add3A_46 = arith.addi %mul3A_43, %mul3A_45 : i32
    %iota3A = tpu.iota {dimensions = array<i32: 0>} : vector<2560x1xi32>
    %add3A_47 = vector.broadcast %add3A_46 : i32 to vector<2560x1xi32>
    %add3A_48 = arith.addi %add3A_47, %iota3A : vector<2560x1xi32>
    %get3A_49 = arith.constant 0 : index
    %get3A_50 = arith.constant 0 : index
    %get3A_51 = vector.load %arg11[%get3A_49, %get3A_50] : memref<1x128xf32, #tpu.memory_space<vmem>>, vector<1x128xf32>
    %lt3A = arith.constant 320000 : i32
    %lt3A_52 = vector.broadcast %lt3A : i32 to vector<2560x1xi32>
    %lt3A_53 = arith.cmpi slt, %add3A_48, %lt3A_52 : vector<2560x1xi32>
    %jit3A = arith.constant 0.000000e+00 : f32
    %broadcast_in_dim3A = vector.shape_cast %lt3A_53 : vector<2560x1xi1> to vector<2560x1xi1>
    %broadcast_in_dim3A_54 = vector.broadcast %broadcast_in_dim3A : vector<2560x1xi1> to vector<2560x128xi1>
    %broadcast_in_dim3A_55 = vector.broadcast %jit3A : f32 to vector<2560x128xf32>
    %select_n3A = arith.select %broadcast_in_dim3A_54, %max3A_33, %broadcast_in_dim3A_55 : vector<2560x128xi1>, vector<2560x128xf32>
    %reduce_sum3A = arith.constant dense<0.000000e+00> : vector<128xf32>
    %reduce_sum3A_56 = vector.multi_reduction <add>, %select_n3A, %reduce_sum3A [0] : vector<2560x128xf32> to vector<128xf32>
    %broadcast_in_dim3A_57 = vector.shape_cast %reduce_sum3A_56 : vector<128xf32> to vector<1x128xf32>
    %add3A_58 = arith.addf %get3A_51, %broadcast_in_dim3A_57 : vector<1x128xf32>
    %swap3A_59 = arith.constant 0 : index
    %swap3A_60 = arith.constant 0 : index
    %swap3A_61 = vector.load %arg11[%swap3A_59, %swap3A_60] : memref<1x128xf32, #tpu.memory_space<vmem>>, vector<1x128xf32>
    tpu.vector_store %arg11[%swap3A_59, %swap3A_60], %add3A_58 {strides = array<i32>} : memref<1x128xf32, #tpu.memory_space<vmem>>, vector<1x128xf32>,
    return
  }
  func.func @transform_0(%arg0: i32) -> (i32, i32) {
    %add3A = arith.constant 0 : i32
    %add3A_0 = arith.addi %add3A, %arg0 : i32
    %min3A = arith.constant 124 : i32
    %min3A_1 = arith.minsi %add3A_0, %min3A : i32
    %c0_i32 = arith.constant 0 : i32
    %c0_i32_2 = arith.constant 0 : i32
    return %min3A_1, %c0_i32 : i32, i32
  }
  func.func @transform_1(%arg0: i32) -> (i32, i32) {
    %c0_i32 = arith.constant 0 : i32
    %c0_i32_0 = arith.constant 0 : i32
    %c0_i32_1 = arith.constant 0 : i32
    return %c0_i32, %c0_i32_0 : i32, i32
  }
  func.func @transform_2(%arg0: i32) -> (i32, i32) {
    %c0_i32 = arith.constant 0 : i32
    %c0_i32_0 = arith.constant 0 : i32
    %c0_i32_1 = arith.constant 0 : i32
    return %c0_i32, %c0_i32_0 : i32, i32
  }
  func.func @transform_3(%arg0: i32) -> (i32, i32) {
    %c0_i32 = arith.constant 0 : i32
    %c0_i32_0 = arith.constant 0 : i32
    %c0_i32_1 = arith.constant 0 : i32
    return %c0_i32, %c0_i32_0 : i32, i32
  }
  func.func @transform_4(%arg0: i32) -> (i32, i32) {
    %c0_i32 = arith.constant 0 : i32
    %c0_i32_0 = arith.constant 0 : i32
    %c0_i32_1 = arith.constant 0 : i32
    return %c0_i32, %c0_i32_0 : i32, i32
  }
  func.func @transform_5(%arg0: i32) -> (i32, i32) {
    %c0_i32 = arith.constant 0 : i32
    %c0_i32_0 = arith.constant 0 : i32
    %c0_i32_1 = arith.constant 0 : i32
    return %c0_i32, %c0_i32_0 : i32, i32
  }
  func.func @transform_6(%arg0: i32) -> (i32, i32) {
    %c0_i32 = arith.constant 0 : i32
    %c0_i32_0 = arith.constant 0 : i32
    %c0_i32_1 = arith.constant 0 : i32
    return %c0_i32, %c0_i32_0 : i32, i32
  }
  func.func @transform_7(%arg0: i32) -> i32 {
    %c0_i32 = arith.constant 0 : i32
    %c0_i32_0 = arith.constant 0 : i32
    return %c0_i32 : i32
  }
  func.func @transform_8(%arg0: i32) -> (i32, i32) {
    %c0_i32 = arith.constant 0 : i32
    %c0_i32_0 = arith.constant 0 : i32
    return %arg0, %c0_i32 : i32, i32
  }
  func.func @transform_9(%arg0: i32) -> (i32, i32) {
    %c0_i32 = arith.constant 0 : i32
    %c0_i32_0 = arith.constant 0 : i32
    return %arg0, %c0_i32 : i32, i32
  }
  func.func @transform_10(%arg0: i32) -> (i32, i32) {
    %c0_i32 = arith.constant 0 : i32
    %c0_i32_0 = arith.constant 0 : i32
    %c0_i32_1 = arith.constant 0 : i32
    return %c0_i32, %c0_i32_0 : i32, i32
  }
}

module attributes {stable_mosaic.version = 14 : i64} {
  func.func @_node_body(%arg0: i32, %arg1: memref<2000x128xf32, #tpu.memory_space<vmem>>, %arg2: memref<1x32xf32, #tpu.memory_space<vmem>>, %arg3: memref<128x256xf32, #tpu.memory_space<vmem>>, %arg4: memref<256x256xf32, #tpu.memory_space<vmem>>, %arg5: memref<1x256xf32, #tpu.memory_space<vmem>>, %arg6: memref<256x128xf32, #tpu.memory_space<vmem>>, %arg7: memref<128x128xf32, #tpu.memory_space<vmem>>, %arg8: memref<32x128xf32, #tpu.memory_space<vmem>>, %arg9: memref<1x128xf32, #tpu.memory_space<vmem>>, %arg10: memref<2000x256xf32, #tpu.memory_space<vmem>>, %arg11: memref<1x2000x1xf32, #tpu.memory_space<vmem>>, %arg12: memref<1x2000x1xf32, #tpu.memory_space<vmem>>, %arg13: memref<1x2000x128xf32, #tpu.memory_space<vmem>>, %arg14: memref<1x2000x128xf32, #tpu.memory_space<vmem>>, %arg15: memref<128x64xf32, #tpu.memory_space<vmem>>, %arg16: memref<128x64xf32, #tpu.memory_space<vmem>>, %arg17: memref<32x64xf32, #tpu.memory_space<vmem>>, %arg18: memref<1x64xf32, #tpu.memory_space<vmem>>, %arg19: memref<64x8xf32, #tpu.memory_space<vmem>>, %arg20: memref<1x8xf32, #tpu.memory_space<vmem>>, %arg21: memref<64x8xf32, #tpu.memory_space<vmem>>, %arg22: memref<1x8xf32, #tpu.memory_space<vmem>>, %arg23: memref<1x128xf32, #tpu.memory_space<vmem>>, %arg24: memref<1x8xf32, #tpu.memory_space<vmem>>, %arg25: memref<1x8xf32, #tpu.memory_space<vmem>>, %arg26: memref<1x128xf32, #tpu.memory_space<vmem>>) attributes {dimension_semantics = [#tpu.dimension_semantics<arbitrary>], iteration_bounds = array<i64: 5>, scalar_prefetch = 0 : i64, scratch_operands = 0 : i64, tpu.core_type = #tpu.core_type<tc>, window_params = [{transform_indices = @transform_0, window_bounds = array<i64: 2000, 128>}, {pipeline_mode = #tpu.pipeline_mode<synchronous>, transform_indices = @transform_1, window_bounds = array<i64: 1, 32>}, {pipeline_mode = #tpu.pipeline_mode<synchronous>, transform_indices = @transform_2, window_bounds = array<i64: 128, 256>}, {pipeline_mode = #tpu.pipeline_mode<synchronous>, transform_indices = @transform_3, window_bounds = array<i64: 256, 256>}, {pipeline_mode = #tpu.pipeline_mode<synchronous>, transform_indices = @transform_4, window_bounds = array<i64: 1, 256>}, {pipeline_mode = #tpu.pipeline_mode<synchronous>, transform_indices = @transform_5, window_bounds = array<i64: 256, 128>}, {pipeline_mode = #tpu.pipeline_mode<synchronous>, transform_indices = @transform_6, window_bounds = array<i64: 128, 128>}, {pipeline_mode = #tpu.pipeline_mode<synchronous>, transform_indices = @transform_7, window_bounds = array<i64: 32, 128>}, {pipeline_mode = #tpu.pipeline_mode<synchronous>, transform_indices = @transform_8, window_bounds = array<i64: 1, 128>}, {transform_indices = @transform_9, window_bounds = array<i64: 2000, 256>}, {transform_indices = @transform_10, window_bounds = array<i64: 1, 2000, 1>}, {transform_indices = @transform_11, window_bounds = array<i64: 1, 2000, 1>}, {transform_indices = @transform_12, window_bounds = array<i64: 1, 2000, 128>}, {transform_indices = @transform_13, window_bounds = array<i64: 1, 2000, 128>}, {pipeline_mode = #tpu.pipeline_mode<synchronous>, transform_indices = @transform_14, window_bounds = array<i64: 128, 64>}, {pipeline_mode = #tpu.pipeline_mode<synchronous>, transform_indices = @transform_15, window_bounds = array<i64: 128, 64>}, {pipeline_mode = #tpu.pipeline_mode<synchronous>, transform_indices = @transform_16, window_bounds = array<i64: 32, 64>}, {pipeline_mode = #tpu.pipeline_mode<synchronous>, transform_indices = @transform_17, window_bounds = array<i64: 1, 64>}, {pipeline_mode = #tpu.pipeline_mode<synchronous>, transform_indices = @transform_18, window_bounds = array<i64: 64, 8>}, {pipeline_mode = #tpu.pipeline_mode<synchronous>, transform_indices = @transform_19, window_bounds = array<i64: 1, 8>}, {pipeline_mode = #tpu.pipeline_mode<synchronous>, transform_indices = @transform_20, window_bounds = array<i64: 64, 8>}, {pipeline_mode = #tpu.pipeline_mode<synchronous>, transform_indices = @transform_21, window_bounds = array<i64: 1, 8>}, {pipeline_mode = #tpu.pipeline_mode<synchronous>, transform_indices = @transform_22, window_bounds = array<i64: 1, 128>}, {pipeline_mode = #tpu.pipeline_mode<synchronous>, transform_indices = @transform_23, window_bounds = array<i64: 1, 8>}, {pipeline_mode = #tpu.pipeline_mode<synchronous>, transform_indices = @transform_24, window_bounds = array<i64: 1, 8>}, {pipeline_mode = #tpu.pipeline_mode<synchronous>, transform_indices = @transform_25, window_bounds = array<i64: 1, 128>}]} {
    %get3A = arith.constant 0 : index
    %get3A_0 = arith.constant 0 : index
    %get3A_1 = arith.constant 0 : index
    %get3A_2 = vector.load %arg11[%get3A, %get3A_0, %get3A_1] : memref<1x2000x1xf32, #tpu.memory_space<vmem>>, vector<1x2000x1xf32>
    %get3A_3 = vector.shape_cast %get3A_2 : vector<1x2000x1xf32> to vector<2000x1xf32>
    %get3A_4 = arith.constant 0 : index
    %get3A_5 = arith.constant 0 : index
    %get3A_6 = arith.constant 0 : index
    %get3A_7 = vector.load %arg12[%get3A_4, %get3A_5, %get3A_6] : memref<1x2000x1xf32, #tpu.memory_space<vmem>>, vector<1x2000x1xf32>
    %get3A_8 = vector.shape_cast %get3A_7 : vector<1x2000x1xf32> to vector<2000x1xf32>
    %add3A = arith.addf %get3A_3, %get3A_8 : vector<2000x1xf32>
    %max3A = arith.constant 1.000000e+00 : f32
    %max3A_9 = vector.broadcast %max3A : f32 to vector<2000x1xf32>
    %max3A_10 = arith.maximumf %add3A, %max3A_9 : vector<2000x1xf32>
    %get3A_11 = arith.constant 0 : index
    %get3A_12 = arith.constant 0 : index
    %get3A_13 = vector.load %arg10[%get3A_11, %get3A_12] : memref<2000x256xf32, #tpu.memory_space<vmem>>, vector<2000x256xf32>
    %get3A_14 = arith.constant 0 : index
    %get3A_15 = arith.constant 0 : index
    %get3A_16 = arith.constant 0 : index
    %get3A_17 = vector.load %arg13[%get3A_14, %get3A_15, %get3A_16] : memref<1x2000x128xf32, #tpu.memory_space<vmem>>, vector<1x2000x128xf32>
    %get3A_18 = vector.shape_cast %get3A_17 : vector<1x2000x128xf32> to vector<2000x128xf32>
    %get3A_19 = arith.constant 0 : index
    %get3A_20 = arith.constant 0 : index
    %get3A_21 = arith.constant 0 : index
    %get3A_22 = vector.load %arg14[%get3A_19, %get3A_20, %get3A_21] : memref<1x2000x128xf32, #tpu.memory_space<vmem>>, vector<1x2000x128xf32>
    %get3A_23 = vector.shape_cast %get3A_22 : vector<1x2000x128xf32> to vector<2000x128xf32>
    %add3A_24 = arith.addf %get3A_18, %get3A_23 : vector<2000x128xf32>
    %div3A = vector.broadcast %max3A_10 : vector<2000x1xf32> to vector<2000x256xf32>
    %div3A_25 = arith.divf %get3A_13, %div3A : vector<2000x256xf32>
    %div3A_26 = vector.broadcast %max3A_10 : vector<2000x1xf32> to vector<2000x128xf32>
    %div3A_27 = arith.divf %add3A_24, %div3A_26 : vector<2000x128xf32>
    %get3A_28 = arith.constant 0 : index
    %get3A_29 = arith.constant 0 : index
    %get3A_30 = vector.load %arg1[%get3A_28, %get3A_29] : memref<2000x128xf32, #tpu.memory_space<vmem>>, vector<2000x128xf32>
    %get3A_31 = arith.constant 0 : index
    %get3A_32 = arith.constant 0 : index
    %get3A_33 = vector.load %arg3[%get3A_31, %get3A_32] : memref<128x256xf32, #tpu.memory_space<vmem>>, vector<128x256xf32>
    %dot_general3A = arith.constant dense<0.000000e+00> : vector<2000x256xf32>
    %dot_general3A_34 = tpu.matmul %get3A_30, %get3A_33, %dot_general3A {dimension_numbers = #tpu.dot_dimension_numbers<[1], [0], [0], [1], [0, 0, 1, 1], [], []>, transpose_lhs_hint = false} : vector<2000x128xf32>, vector<128x256xf32>, vector<2000x256xf32> -> vector<2000x256xf32>
    %get3A_35 = arith.constant 0 : index
    %get3A_36 = arith.constant 0 : index
    %get3A_37 = vector.load %arg4[%get3A_35, %get3A_36] : memref<256x256xf32, #tpu.memory_space<vmem>>, vector<256x256xf32>
    %dot_general3A_38 = arith.constant dense<0.000000e+00> : vector<2000x256xf32>
    %dot_general3A_39 = tpu.matmul %div3A_25, %get3A_37, %dot_general3A_38 {dimension_numbers = #tpu.dot_dimension_numbers<[1], [0], [0], [1], [0, 0, 1, 1], [], []>, transpose_lhs_hint = false} : vector<2000x256xf32>, vector<256x256xf32>, vector<2000x256xf32> -> vector<2000x256xf32>
    %add3A_40 = arith.addf %dot_general3A_34, %dot_general3A_39 : vector<2000x256xf32>
    %get3A_41 = arith.constant 0 : index
    %get3A_42 = arith.constant 0 : index
    %get3A_43 = vector.load %arg5[%get3A_41, %get3A_42] : memref<1x256xf32, #tpu.memory_space<vmem>>, vector<1x256xf32>
    %add3A_44 = vector.broadcast %get3A_43 : vector<1x256xf32> to vector<2000x256xf32>
    %add3A_45 = arith.addf %add3A_40, %add3A_44 : vector<2000x256xf32>
    %max3A_46 = arith.constant 0.000000e+00 : f32
    %max3A_47 = vector.broadcast %max3A_46 : f32 to vector<2000x256xf32>
    %max3A_48 = arith.maximumf %add3A_45, %max3A_47 : vector<2000x256xf32>
    %get3A_49 = arith.constant 0 : index
    %get3A_50 = arith.constant 0 : index
    %get3A_51 = vector.load %arg2[%get3A_49, %get3A_50] : memref<1x32xf32, #tpu.memory_space<vmem>>, vector<1x32xf32>
    %get3A_52 = arith.constant 0 : index
    %get3A_53 = arith.constant 0 : index
    %get3A_54 = vector.load %arg8[%get3A_52, %get3A_53] : memref<32x128xf32, #tpu.memory_space<vmem>>, vector<32x128xf32>
    %dot_general3A_55 = arith.constant dense<0.000000e+00> : vector<1x128xf32>
    %dot_general3A_56 = tpu.matmul %get3A_51, %get3A_54, %dot_general3A_55 {dimension_numbers = #tpu.dot_dimension_numbers<[1], [0], [0], [1], [0, 0, 1, 1], [], []>, transpose_lhs_hint = false} : vector<1x32xf32>, vector<32x128xf32>, vector<1x128xf32> -> vector<1x128xf32>
    %get3A_57 = arith.constant 0 : index
    %get3A_58 = arith.constant 0 : index
    %get3A_59 = vector.load %arg9[%get3A_57, %get3A_58] : memref<1x128xf32, #tpu.memory_space<vmem>>, vector<1x128xf32>
    %add3A_60 = arith.addf %dot_general3A_56, %get3A_59 : vector<1x128xf32>
    %get3A_61 = arith.constant 0 : index
    %get3A_62 = arith.constant 0 : index
    %get3A_63 = vector.load %arg6[%get3A_61, %get3A_62] : memref<256x128xf32, #tpu.memory_space<vmem>>, vector<256x128xf32>
    %dot_general3A_64 = arith.constant dense<0.000000e+00> : vector<2000x128xf32>
    %dot_general3A_65 = tpu.matmul %max3A_48, %get3A_63, %dot_general3A_64 {dimension_numbers = #tpu.dot_dimension_numbers<[1], [0], [0], [1], [0, 0, 1, 1], [], []>, transpose_lhs_hint = false} : vector<2000x256xf32>, vector<256x128xf32>, vector<2000x128xf32> -> vector<2000x128xf32>
    %get3A_66 = arith.constant 0 : index
    %get3A_67 = arith.constant 0 : index
    %get3A_68 = vector.load %arg7[%get3A_66, %get3A_67] : memref<128x128xf32, #tpu.memory_space<vmem>>, vector<128x128xf32>
    %dot_general3A_69 = arith.constant dense<0.000000e+00> : vector<2000x128xf32>
    %dot_general3A_70 = tpu.matmul %div3A_27, %get3A_68, %dot_general3A_69 {dimension_numbers = #tpu.dot_dimension_numbers<[1], [0], [0], [1], [0, 0, 1, 1], [], []>, transpose_lhs_hint = false} : vector<2000x128xf32>, vector<128x128xf32>, vector<2000x128xf32> -> vector<2000x128xf32>
    %add3A_71 = arith.addf %dot_general3A_65, %dot_general3A_70 : vector<2000x128xf32>
    %add3A_72 = vector.broadcast %add3A_60 : vector<1x128xf32> to vector<2000x128xf32>
    %add3A_73 = arith.addf %add3A_71, %add3A_72 : vector<2000x128xf32>
    %max3A_74 = arith.constant 0.000000e+00 : f32
    %max3A_75 = vector.broadcast %max3A_74 : f32 to vector<2000x128xf32>
    %max3A_76 = arith.maximumf %add3A_73, %max3A_75 : vector<2000x128xf32>
    %eq3A = arith.constant 0 : i32
    %eq3A_77 = arith.cmpi eq, %arg0, %eq3A : i32
    %convert_element_type3A = arith.extui %eq3A_77 : i1 to i32
    %cond3A = arith.constant 0 : i32
    %cond3A_78 = arith.cmpi ne, %convert_element_type3A, %cond3A : i32
    scf.if %cond3A_78 {
      %broadcast_in_dim3A_91 = arith.constant 0.000000e+00 : f32
      %broadcast_in_dim3A_92 = vector.broadcast %broadcast_in_dim3A_91 : f32 to vector<1x128xf32>
      %swap3A_93 = arith.constant 0 : index
      %swap3A_94 = arith.constant 0 : index
      %swap3A_95 = vector.load %arg26[%swap3A_93, %swap3A_94] : memref<1x128xf32, #tpu.memory_space<vmem>>, vector<1x128xf32>
      tpu.vector_store %arg26[%swap3A_93, %swap3A_94], %broadcast_in_dim3A_92 {strides = array<i32>} : memref<1x128xf32, #tpu.memory_space<vmem>>, vector<1x128xf32>,
    } else {
    }
    %get3A_79 = arith.constant 0 : index
    %get3A_80 = arith.constant 0 : index
    %get3A_81 = vector.load %arg26[%get3A_79, %get3A_80] : memref<1x128xf32, #tpu.memory_space<vmem>>, vector<1x128xf32>
    %reduce_sum3A = arith.constant dense<0.000000e+00> : vector<128xf32>
    %reduce_sum3A_82 = vector.multi_reduction <add>, %max3A_76, %reduce_sum3A [0] : vector<2000x128xf32> to vector<128xf32>
    %broadcast_in_dim3A = vector.shape_cast %reduce_sum3A_82 : vector<128xf32> to vector<1x128xf32>
    %add3A_83 = arith.addf %get3A_81, %broadcast_in_dim3A : vector<1x128xf32>
    %swap3A = arith.constant 0 : index
    %swap3A_84 = arith.constant 0 : index
    %swap3A_85 = vector.load %arg26[%swap3A, %swap3A_84] : memref<1x128xf32, #tpu.memory_space<vmem>>, vector<1x128xf32>
    tpu.vector_store %arg26[%swap3A, %swap3A_84], %add3A_83 {strides = array<i32>} : memref<1x128xf32, #tpu.memory_space<vmem>>, vector<1x128xf32>,
    %eq3A_86 = arith.constant 4 : i32
    %eq3A_87 = arith.cmpi eq, %arg0, %eq3A_86 : i32
    %convert_element_type3A_88 = arith.extui %eq3A_87 : i1 to i32
    %cond3A_89 = arith.constant 0 : i32
    %cond3A_90 = arith.cmpi ne, %convert_element_type3A_88, %cond3A_89 : i32
    scf.if %cond3A_90 {
      %get3A_91 = arith.constant 0 : index
      %get3A_92 = arith.constant 0 : index
      %get3A_93 = vector.load %arg23[%get3A_91, %get3A_92] : memref<1x128xf32, #tpu.memory_space<vmem>>, vector<1x128xf32>
      %get3A_94 = arith.constant 0 : index
      %get3A_95 = arith.constant 0 : index
      %get3A_96 = vector.load %arg26[%get3A_94, %get3A_95] : memref<1x128xf32, #tpu.memory_space<vmem>>, vector<1x128xf32>
      %mul3A = arith.constant 9.99999974E-5 : f32
      %mul3A_97 = vector.broadcast %mul3A : f32 to vector<1x128xf32>
      %mul3A_98 = arith.mulf %get3A_96, %mul3A_97 : vector<1x128xf32>
      %get3A_99 = arith.constant 0 : index
      %get3A_100 = arith.constant 0 : index
      %get3A_101 = vector.load %arg15[%get3A_99, %get3A_100] : memref<128x64xf32, #tpu.memory_space<vmem>>, vector<128x64xf32>
      %dot_general3A_102 = arith.constant dense<0.000000e+00> : vector<1x64xf32>
      %dot_general3A_103 = tpu.matmul %mul3A_98, %get3A_101, %dot_general3A_102 {dimension_numbers = #tpu.dot_dimension_numbers<[1], [0], [0], [1], [0, 0, 1, 1], [], []>, transpose_lhs_hint = false} : vector<1x128xf32>, vector<128x64xf32>, vector<1x64xf32> -> vector<1x64xf32>
      %mul3A_104 = arith.constant 3.125000e-06 : f32
      %mul3A_105 = vector.broadcast %mul3A_104 : f32 to vector<1x128xf32>
      %mul3A_106 = arith.mulf %get3A_93, %mul3A_105 : vector<1x128xf32>
      %get3A_107 = arith.constant 0 : index
      %get3A_108 = arith.constant 0 : index
      %get3A_109 = vector.load %arg16[%get3A_107, %get3A_108] : memref<128x64xf32, #tpu.memory_space<vmem>>, vector<128x64xf32>
      %dot_general3A_110 = arith.constant dense<0.000000e+00> : vector<1x64xf32>
      %dot_general3A_111 = tpu.matmul %mul3A_106, %get3A_109, %dot_general3A_110 {dimension_numbers = #tpu.dot_dimension_numbers<[1], [0], [0], [1], [0, 0, 1, 1], [], []>, transpose_lhs_hint = false} : vector<1x128xf32>, vector<128x64xf32>, vector<1x64xf32> -> vector<1x64xf32>
      %add3A_112 = arith.addf %dot_general3A_103, %dot_general3A_111 : vector<1x64xf32>
      %get3A_113 = arith.constant 0 : index
      %get3A_114 = arith.constant 0 : index
      %get3A_115 = vector.load %arg2[%get3A_113, %get3A_114] : memref<1x32xf32, #tpu.memory_space<vmem>>, vector<1x32xf32>
      %get3A_116 = arith.constant 0 : index
      %get3A_117 = arith.constant 0 : index
      %get3A_118 = vector.load %arg17[%get3A_116, %get3A_117] : memref<32x64xf32, #tpu.memory_space<vmem>>, vector<32x64xf32>
      %dot_general3A_119 = arith.constant dense<0.000000e+00> : vector<1x64xf32>
      %dot_general3A_120 = tpu.matmul %get3A_115, %get3A_118, %dot_general3A_119 {dimension_numbers = #tpu.dot_dimension_numbers<[1], [0], [0], [1], [0, 0, 1, 1], [], []>, transpose_lhs_hint = false} : vector<1x32xf32>, vector<32x64xf32>, vector<1x64xf32> -> vector<1x64xf32>
      %add3A_121 = arith.addf %add3A_112, %dot_general3A_120 : vector<1x64xf32>
      %get3A_122 = arith.constant 0 : index
      %get3A_123 = arith.constant 0 : index
      %get3A_124 = vector.load %arg18[%get3A_122, %get3A_123] : memref<1x64xf32, #tpu.memory_space<vmem>>, vector<1x64xf32>
      %add3A_125 = arith.addf %add3A_121, %get3A_124 : vector<1x64xf32>
      %max3A_126 = arith.constant 0.000000e+00 : f32
      %max3A_127 = vector.broadcast %max3A_126 : f32 to vector<1x64xf32>
      %max3A_128 = arith.maximumf %add3A_125, %max3A_127 : vector<1x64xf32>
      %get3A_129 = arith.constant 0 : index
      %get3A_130 = arith.constant 0 : index
      %get3A_131 = vector.load %arg19[%get3A_129, %get3A_130] : memref<64x8xf32, #tpu.memory_space<vmem>>, vector<64x8xf32>
      %dot_general3A_132 = arith.constant dense<0.000000e+00> : vector<1x8xf32>
      %dot_general3A_133 = tpu.matmul %max3A_128, %get3A_131, %dot_general3A_132 {dimension_numbers = #tpu.dot_dimension_numbers<[1], [0], [0], [1], [0, 0, 1, 1], [], []>, transpose_lhs_hint = false} : vector<1x64xf32>, vector<64x8xf32>, vector<1x8xf32> -> vector<1x8xf32>
      %get3A_134 = arith.constant 0 : index
      %get3A_135 = arith.constant 0 : index
      %get3A_136 = vector.load %arg20[%get3A_134, %get3A_135] : memref<1x8xf32, #tpu.memory_space<vmem>>, vector<1x8xf32>
      %add3A_137 = arith.addf %dot_general3A_133, %get3A_136 : vector<1x8xf32>
      %swap3A_138 = arith.constant 0 : index
      %swap3A_139 = arith.constant 0 : index
      %swap3A_140 = vector.load %arg24[%swap3A_138, %swap3A_139] : memref<1x8xf32, #tpu.memory_space<vmem>>, vector<1x8xf32>
      tpu.vector_store %arg24[%swap3A_138, %swap3A_139], %add3A_137 {strides = array<i32>} : memref<1x8xf32, #tpu.memory_space<vmem>>, vector<1x8xf32>,
      %get3A_141 = arith.constant 0 : index
      %get3A_142 = arith.constant 0 : index
      %get3A_143 = vector.load %arg21[%get3A_141, %get3A_142] : memref<64x8xf32, #tpu.memory_space<vmem>>, vector<64x8xf32>
      %dot_general3A_144 = arith.constant dense<0.000000e+00> : vector<1x8xf32>
      %dot_general3A_145 = tpu.matmul %max3A_128, %get3A_143, %dot_general3A_144 {dimension_numbers = #tpu.dot_dimension_numbers<[1], [0], [0], [1], [0, 0, 1, 1], [], []>, transpose_lhs_hint = false} : vector<1x64xf32>, vector<64x8xf32>, vector<1x8xf32> -> vector<1x8xf32>
      %get3A_146 = arith.constant 0 : index
      %get3A_147 = arith.constant 0 : index
      %get3A_148 = vector.load %arg22[%get3A_146, %get3A_147] : memref<1x8xf32, #tpu.memory_space<vmem>>, vector<1x8xf32>
      %add3A_149 = arith.addf %dot_general3A_145, %get3A_148 : vector<1x8xf32>
      %jit3A = arith.constant -2.000000e+01 : f32
      %jit3A_150 = arith.constant 2.000000e+00 : f32
      %max3A_151 = vector.broadcast %jit3A : f32 to vector<1x8xf32>
      %max3A_152 = arith.maximumf %max3A_151, %add3A_149 : vector<1x8xf32>
      %min3A = vector.broadcast %jit3A_150 : f32 to vector<1x8xf32>
      %min3A_153 = arith.minimumf %min3A, %max3A_152 : vector<1x8xf32>
      %swap3A_154 = arith.constant 0 : index
      %swap3A_155 = arith.constant 0 : index
      %swap3A_156 = vector.load %arg25[%swap3A_154, %swap3A_155] : memref<1x8xf32, #tpu.memory_space<vmem>>, vector<1x8xf32>
      tpu.vector_store %arg25[%swap3A_154, %swap3A_155], %min3A_153 {strides = array<i32>} : memref<1x8xf32, #tpu.memory_space<vmem>>, vector<1x8xf32>,
    } else {
    }
    return
  }
  func.func @transform_0(%arg0: i32) -> (i32, i32) {
    %c0_i32 = arith.constant 0 : i32
    %c0_i32_0 = arith.constant 0 : i32
    return %arg0, %c0_i32 : i32, i32
  }
  func.func @transform_1(%arg0: i32) -> (i32, i32) {
    %c0_i32 = arith.constant 0 : i32
    %c0_i32_0 = arith.constant 0 : i32
    %c0_i32_1 = arith.constant 0 : i32
    return %c0_i32, %c0_i32_0 : i32, i32
  }
  func.func @transform_2(%arg0: i32) -> (i32, i32) {
    %c0_i32 = arith.constant 0 : i32
    %c0_i32_0 = arith.constant 0 : i32
    %c0_i32_1 = arith.constant 0 : i32
    return %c0_i32, %c0_i32_0 : i32, i32
  }
  func.func @transform_3(%arg0: i32) -> (i32, i32) {
    %c0_i32 = arith.constant 0 : i32
    %c0_i32_0 = arith.constant 0 : i32
    %c0_i32_1 = arith.constant 0 : i32
    return %c0_i32, %c0_i32_0 : i32, i32
  }
  func.func @transform_4(%arg0: i32) -> (i32, i32) {
    %c0_i32 = arith.constant 0 : i32
    %c0_i32_0 = arith.constant 0 : i32
    %c0_i32_1 = arith.constant 0 : i32
    return %c0_i32, %c0_i32_0 : i32, i32
  }
  func.func @transform_5(%arg0: i32) -> (i32, i32) {
    %c0_i32 = arith.constant 0 : i32
    %c0_i32_0 = arith.constant 0 : i32
    %c0_i32_1 = arith.constant 0 : i32
    return %c0_i32, %c0_i32_0 : i32, i32
  }
  func.func @transform_6(%arg0: i32) -> (i32, i32) {
    %c0_i32 = arith.constant 0 : i32
    %c0_i32_0 = arith.constant 0 : i32
    %c0_i32_1 = arith.constant 0 : i32
    return %c0_i32, %c0_i32_0 : i32, i32
  }
  func.func @transform_7(%arg0: i32) -> (i32, i32) {
    %c0_i32 = arith.constant 0 : i32
    %c0_i32_0 = arith.constant 0 : i32
    %c0_i32_1 = arith.constant 0 : i32
    return %c0_i32, %c0_i32_0 : i32, i32
  }
  func.func @transform_8(%arg0: i32) -> (i32, i32) {
    %c0_i32 = arith.constant 0 : i32
    %c0_i32_0 = arith.constant 0 : i32
    %c0_i32_1 = arith.constant 0 : i32
    return %c0_i32, %c0_i32_0 : i32, i32
  }
  func.func @transform_9(%arg0: i32) -> (i32, i32) {
    %c0_i32 = arith.constant 0 : i32
    %c0_i32_0 = arith.constant 0 : i32
    return %arg0, %c0_i32 : i32, i32
  }
  func.func @transform_10(%arg0: i32) -> (i32, i32, i32) {
    %c0_i32 = arith.constant 0 : i32
    %c0_i32_0 = arith.constant 0 : i32
    %c0_i32_1 = arith.constant 0 : i32
    return %c0_i32, %arg0, %c0_i32_0 : i32, i32, i32
  }
  func.func @transform_11(%arg0: i32) -> (i32, i32, i32) {
    %c1_i32 = arith.constant 1 : i32
    %c0_i32 = arith.constant 0 : i32
    %c0_i32_0 = arith.constant 0 : i32
    return %c1_i32, %arg0, %c0_i32 : i32, i32, i32
  }
  func.func @transform_12(%arg0: i32) -> (i32, i32, i32) {
    %c0_i32 = arith.constant 0 : i32
    %c0_i32_0 = arith.constant 0 : i32
    %c0_i32_1 = arith.constant 0 : i32
    return %c0_i32, %arg0, %c0_i32_0 : i32, i32, i32
  }
  func.func @transform_13(%arg0: i32) -> (i32, i32, i32) {
    %c1_i32 = arith.constant 1 : i32
    %c0_i32 = arith.constant 0 : i32
    %c0_i32_0 = arith.constant 0 : i32
    return %c1_i32, %arg0, %c0_i32 : i32, i32, i32
  }
  func.func @transform_14(%arg0: i32) -> (i32, i32) {
    %c0_i32 = arith.constant 0 : i32
    %c0_i32_0 = arith.constant 0 : i32
    %c0_i32_1 = arith.constant 0 : i32
    return %c0_i32, %c0_i32_0 : i32, i32
  }
  func.func @transform_15(%arg0: i32) -> (i32, i32) {
    %c0_i32 = arith.constant 0 : i32
    %c0_i32_0 = arith.constant 0 : i32
    %c0_i32_1 = arith.constant 0 : i32
    return %c0_i32, %c0_i32_0 : i32, i32
  }
  func.func @transform_16(%arg0: i32) -> (i32, i32) {
    %c0_i32 = arith.constant 0 : i32
    %c0_i32_0 = arith.constant 0 : i32
    %c0_i32_1 = arith.constant 0 : i32
    return %c0_i32, %c0_i32_0 : i32, i32
  }
  func.func @transform_17(%arg0: i32) -> (i32, i32) {
    %c0_i32 = arith.constant 0 : i32
    %c0_i32_0 = arith.constant 0 : i32
    %c0_i32_1 = arith.constant 0 : i32
    return %c0_i32, %c0_i32_0 : i32, i32
  }
  func.func @transform_18(%arg0: i32) -> (i32, i32) {
    %c0_i32 = arith.constant 0 : i32
    %c0_i32_0 = arith.constant 0 : i32
    %c0_i32_1 = arith.constant 0 : i32
    return %c0_i32, %c0_i32_0 : i32, i32
  }
  func.func @transform_19(%arg0: i32) -> (i32, i32) {
    %c0_i32 = arith.constant 0 : i32
    %c0_i32_0 = arith.constant 0 : i32
    %c0_i32_1 = arith.constant 0 : i32
    return %c0_i32, %c0_i32_0 : i32, i32
  }
  func.func @transform_20(%arg0: i32) -> (i32, i32) {
    %c0_i32 = arith.constant 0 : i32
    %c0_i32_0 = arith.constant 0 : i32
    %c0_i32_1 = arith.constant 0 : i32
    return %c0_i32, %c0_i32_0 : i32, i32
  }
  func.func @transform_21(%arg0: i32) -> (i32, i32) {
    %c0_i32 = arith.constant 0 : i32
    %c0_i32_0 = arith.constant 0 : i32
    %c0_i32_1 = arith.constant 0 : i32
    return %c0_i32, %c0_i32_0 : i32, i32
  }
  func.func @transform_22(%arg0: i32) -> (i32, i32) {
    %c0_i32 = arith.constant 0 : i32
    %c0_i32_0 = arith.constant 0 : i32
    %c0_i32_1 = arith.constant 0 : i32
    return %c0_i32, %c0_i32_0 : i32, i32
  }
  func.func @transform_23(%arg0: i32) -> (i32, i32) {
    %c0_i32 = arith.constant 0 : i32
    %c0_i32_0 = arith.constant 0 : i32
    %c0_i32_1 = arith.constant 0 : i32
    return %c0_i32, %c0_i32_0 : i32, i32
  }
  func.func @transform_24(%arg0: i32) -> (i32, i32) {
    %c0_i32 = arith.constant 0 : i32
    %c0_i32_0 = arith.constant 0 : i32
    %c0_i32_1 = arith.constant 0 : i32
    return %c0_i32, %c0_i32_0 : i32, i32
  }
  func.func @transform_25(%arg0: i32) -> (i32, i32) {
    %c0_i32 = arith.constant 0 : i32
    %c0_i32_0 = arith.constant 0 : i32
    %c0_i32_1 = arith.constant 0 : i32
    return %c0_i32, %c0_i32_0 : i32, i32
  }
}

</mosaic_0001>

<sc_bundles>
// kernel: kernel.5.cloned.1.call-start
scs
__scs_entry_jumppad:
0x0: {  	(pc) =	sbr.rel $0x88, $3  }
0x1: {  	(tag) =	ssettag $0x0;
	lr =	simm.s32 $0x1  }
0x2: {  	[smem:$0x3F89] =	sst lr;
	_ =	strace $0xD0000000  }
0x3: {  	_ = 	snop  }
0x4: {  	_ = 	snop  }
0x5: {  	_ = 	snop  }
0x6: {  	_ = 	snop  }
0x7: {  	_ = 	snop  }
__scs_overlays_trampoline_lowered:
0x8: {  	[smem:$0x3F98] =	sst s0  }
0x9: {  	[smem:$0x3F99] =	sst s1  }
0xa: {  	[smem:$0x3F9A] =	sst s2  }
0xb: {  	[smem:$0x3F9B] =	sst s3  }
0xc: {  	[smem:$0x3F9C] =	sst s4  }
0xd: {  	[smem:$0x3F9D] =	sst s5  }
0xe: {  	[smem:$0x3F9E] =	sst s6  }
0xf: {  	[smem:$0x3F9F] =	sst s7  }
0x10: {  	[smem:$0x3FA0] =	sst s8  }
0x11: {  	[smem:$0x3FA1] =	sst s9;
	s0 =	simm.s32 @!p0 $0x0  }
0x12: {  	s1 =	sld [smem:$0x3F87];
	s0 =	simm.s32 @p0 $0x1  }
0x13: {  	[smem:$0x3FA2] =	sst s0;
	s0 =	simm.s32 @!p1 $0x0  }
0x14: {  	s2 =	sld [smem:$0x3F86];
	s0 =	simm.s32 @p1 $0x1  }
0x15: {  	[smem:$0x3FA3] =	sst s0;
	s0 =	simm.s32 @!p2 $0x0  }
0x16: {  	s3 =	sld [smem:$0x3FDB];
	s0 =	simm.s32 @p2 $0x1  }
0x17: {  	s4 =	simm.s32 $0x1BF5;
	[smem:$0x3FA5] =	sst s0  }
0x18: {  	s0 =	sld [smem:$0x3F88];
	_ =	swait.ge [sflag:s4], $0x0  }
0x19: {  	s7 =	sld [smem:$0x3F89]  }
0x1a: {  	s8 =	sadd.s32 $0xFFFFE003, lr  }
0x1b: {  	s9 =	sadd.s32 $0xFFFFFEF7, lr;
	s5 =	simm.s32 $0xFFFFFFFF;
	p2 =	slt.u32 s8, $0xFFFFF086  }
0x1c: {  	p1 =	slt.u32 s9, $0xF7A;
	s5 =	simm.s32 @!p2 $0x0  }
0x1d: {  	s5 =	simm.s32 @p1 $0x1;
	p0 =	seq.s32 s7, s2  }
0x1e: {  	s7 =	smul.u32 @!p0 $0xF7A, s2;
	p2 =	seq.s32 @!p0 s5, $0x0  }
0x1f: {  	s9 =	smul.u32 $0xF7A, s1;
	s8 =	simm.s32 @!p0 $0x1BF5;
	p2 =	por !p2, p0  }
0x20: {  	[sflag:s8] =	ssyncset.s32 @!p0 $0xFFFFF086;
	s6 =	sadd.s32 @!p0 s3, s7;
	s7 =	simm.s32 @!p0 $0x108  }
0x21: {  	s3 =	sadd.s32 s3, s9;
	s6 =	sadd.s32 @!p0 $0x88, s6;
	s7 =	simm.s32 @p2 $0x1082  }
0x22: {  	[simem:s7], [sflag:s8] =	dma.local @!p0 [hbm:s6], $0xF7A  }
0x23: {  	s9 =	sor.u32 $0xD0000000, s2;
	s6 =	simm.s32 $0x108;
	_ =	swait.ge @!p0 [sflag:s8], $0x0  }
0x24: {  	s3 =	sadd.s32 $0x88, s3;
	s6 =	simm.s32 @!p1 $0x1082;
	[sflag:s4] =	ssyncset.s32 $0xFFFFF086  }
0x25: {  	[simem:s6], [sflag:s4] =	dma.local [hbm:s3], $0xF7A  }
0x26: {  	[smem:$0x3F89] =	sst s1;
	(tag) =	ssettag s2;
	_ =	strace s9  }
0x27: {  	s1 =	sld [smem:$0x3F99]  }
0x28: {  	s2 =	sld [smem:$0x3F9A]  }
0x29: {  	s4 =	sld [smem:$0x3F9C]  }
0x2a: {  	p0 =	seq.s32 s5, $0x0;
	s5 =	sld [smem:$0x3F9D]  }
0x2b: {  	s6 =	sld [smem:$0x3F9E]  }
0x2c: {  	s7 =	sld [smem:$0x3F9F]  }
0x2d: {  	s3 =	simm.s32 $0x108;
	s8 =	sld [smem:$0x3FA0]  }
0x2e: {  	s3 =	simm.s32 @!p0 $0x1082;
	s9 =	sld [smem:$0x3FA1]  }
0x2f: {  	lr =	sadd.s32 s0, s3;
	s0 =	sld [smem:$0x3F98]  }
0x30: {  	s3 =	sld [smem:$0x3F9B]  }
0x31: {  	[smem:$0x3FA4] =	sst s10  }
0x32: {  	s10 =	sld [smem:$0x3FA2];
	_ =	sdelay $0x3  }
0x33: {  	p0 =	seq.s32 s10, $0x1;
	s10 =	sld [smem:$0x3FA4];
	_ =	sdelay $0x3  }
0x34: {  	[smem:$0x3FA4] =	sst s10  }
0x35: {  	s10 =	sld [smem:$0x3FA3];
	_ =	sdelay $0x3  }
0x36: {  	p1 =	seq.s32 s10, $0x1;
	s10 =	sld [smem:$0x3FA4];
	_ =	sdelay $0x3  }
0x37: {  	[smem:$0x3FA4] =	sst s10  }
0x38: {  	s10 =	sld [smem:$0x3FA5]  }
0x39: {  	_ = 	snop;
	(pc) =	sbr.ind lr, $3  }
0x3a: {  	_ = 	snop  }
0x3b: {  	_ = 	snop  }
0x3c: {  	p2 =	seq.s32 s10, $0x1;
	s10 =	sld [smem:$0x3FA4]  }
0x3d: {  	_ =	shalt  }
0x3e: {  	_ =	shalt  }
0x3f: {  	_ =	shalt  }
0x40: {  	_ =	shalt  }
0x41: {  	_ =	shalt  }
0x42: {  	_ =	shalt  }
0x43: {  	_ =	shalt  }
0x44: {  	_ =	shalt  }
0x45: {  	_ =	shalt  }
0x46: {  	_ =	shalt  }
0x47: {  	_ =	shalt  }
0x48: {  	_ =	shalt  }
0x49: {  	_ =	shalt  }
0x4a: {  	_ =	shalt  }
0x4b: {  	_ =	shalt  }
0x4c: {  	_ =	shalt  }
0x4d: {  	_ =	shalt  }
0x4e: {  	_ =	shalt  }
0x4f: {  	_ =	shalt  }
0x50: {  	_ =	shalt  }
0x51: {  	_ =	shalt  }
0x52: {  	_ =	shalt  }
0x53: {  	_ =	shalt  }
0x54: {  	_ =	shalt  }
0x55: {  	_ =	shalt  }
0x56: {  	_ =	shalt  }
0x57: {  	_ =	shalt  }
0x58: {  	_ =	shalt  }
0x59: {  	_ =	shalt  }
0x5a: {  	_ =	shalt  }
0x5b: {  	_ =	shalt  }
0x5c: {  	_ =	shalt  }
0x5d: {  	_ =	shalt  }
0x5e: {  	_ =	shalt  }
0x5f: {  	_ =	shalt  }
0x60: {  	_ =	shalt  }
0x61: {  	_ =	shalt  }
0x62: {  	_ =	shalt  }
0x63: {  	_ =	shalt  }
0x64: {  	_ =	shalt  }
0x65: {  	_ =	shalt  }
0x66: {  	_ =	shalt  }
0x67: {  	_ =	shalt  }
0x68: {  	_ =	shalt  }
0x69: {  	_ =	shalt  }
0x6a: {  	_ =	shalt  }
0x6b: {  	_ =	shalt  }
0x6c: {  	_ =	shalt  }
0x6d: {  	_ =	shalt  }
0x6e: {  	_ =	shalt  }
0x6f: {  	_ =	shalt  }
0x70: {  	_ =	shalt  }
0x71: {  	_ =	shalt  }
0x72: {  	_ =	shalt  }
0x73: {  	_ =	shalt  }
0x74: {  	_ =	shalt  }
0x75: {  	_ =	shalt  }
0x76: {  	_ =	shalt  }
0x77: {  	_ =	shalt  }
0x78: {  	_ =	shalt  }
0x79: {  	_ =	shalt  }
0x7a: {  	_ =	shalt  }
0x7b: {  	_ =	shalt  }
0x7c: {  	_ =	shalt  }
0x7d: {  	_ =	shalt  }
0x7e: {  	_ =	shalt  }
0x7f: {  	_ =	shalt  }
0x80: {  	_ =	shalt  }
0x81: {  	_ =	shalt  }
0x82: {  	_ =	shalt  }
0x83: {  	_ =	shalt  }
0x84: {  	_ =	shalt  }
0x85: {  	_ =	shalt  }
0x86: {  	_ =	shalt  }
0x87: {  	_ =	shalt  }
.Lfunc_end0:
.L_simem_size_0:
called_computation_lowered:
.L_overlay_start_0:
0x88: {  	s2 =	sld [smem:$0x3FD9]  }
0x89: {  	s3 =	sld [smem:$0x3FFE];
	_ =	sdelay $0x1  }
0x8a: {  	s1 =	srdreg.scid  }
0x8b: {  	s0 =	sand.u32 $0x1, s1  }
0x8c: {  	s14 =	sshll.u32 s0, $0xA;
	s2 =	sadd.s32 s3, s2  }
0x8d: {  	s2 =	sadd.s32 s2, s14  }
0x8e: {  	[smem:$0x3FB0] =	sst s2  }
0x8f: {  	_ = 	snop  }
0x90: {  	s2 =	sld [smem:$0x3FD0];
	_ =	sdelay $0x2  }
0x91: {  	s15 =	simm.s32 $0xA;
	s4 =	simm.s32 $0x10  }
0x92: {  	[smem:s4], [sflag:s15] =	dma.local [hbm:s2], $0x1  }
0x93: {  	_ =	swait.eq [sflag:s15], $0x1  }
0x94: {  	[sflag:s15] =	ssyncset.done $0x0  }
0x95: {  	[sflag:s15] =	ssyncadd.s32 $0xFFFFFFFF  }
0x96: {  	s16 =	sld [smem:$0x11];
	(tm) =	ssettm $0x1  }
0x97: {  	s17 =	sld [smem:$0x3FFB];
	_ =	sdelay $0x3  }
0x98: {  	_ =	strace s17  }
0x99: {  	s3 =	sld [smem:$0x3FFC];
	_ =	sdelay $0x3  }
0x9a: {  	_ =	strace s3  }
0x9b: {  	s3 =	sld [smem:$0x3FFD];
	_ =	sdelay $0x3  }
0x9c: {  	_ =	strace s3  }
0x9d: {  	_ =	strace $0x8FFFFFFF  }
0x9e: {  	s18 =	sld [smem:$0x3FDB];
	_ =	sdelay $0x1  }
0x9f: {  	s19 =	simm.s32 $_scs_section_size  }
0xa0: {  	s5 =	simm.s32 $_size__tile_overlayer_lowered;
	s6 =	simm.s32 $_tile_overlayer_lowered  }
0xa1: {  	s22 =	simm.s32 $0x1BFF;
	s21 =	sshll.u32 s6, $0x1;
	s3 =	sadd.s32 s19, s18  }
0xa2: {  	s7 =	simm.s32 $0x0;
	s20 =	sshll.u32 s5, $0x1;
	s5 =	sadd.s32 s21, s3  }
0xa3: {  	[timem:s7], [sflag:s22] =	dma.local [hbm:s5], s20  }
0xa4: {  	_ =	swait.ge [sflag:s22], s20  }
0xa5: {  	s4 =	ssub.s32 $0x0, s20;
	[sflag:s22] =	ssyncset.done $0x0  }
0xa6: {  	[sflag:s22] =	ssyncadd.s32 s4;
	_ =	sdelay $0x1  }
0xa7: {  	s23 =	simm.s32 $0x1B8B  }
0xa8: {  	_ =	swait.ge [sflag:s23], $0x1  }
0xa9: {  	[sflag:s23] =	ssyncset.done $0x0  }
0xaa: {  	s25 =	simm.s32 $0x1B8E;
	s24 =	sld [smem:$0x3FFE];
	[sflag:s23] =	ssyncadd.s32 $0xFFFFFFFF  }
0xab: {  	s26 =	simm.s32 $execute0_lowered;
	[smem:$0x3FD2] =	sst s25  }
0xac: {  	s5 =	sshll.u32 s26, $0x1;
	_ =	strace $0x80000046;
	[dreg:$0x1] =	wrdreg $0xFFFFFFFF  }
0xad: {  	s28 =	simm.s32 $_size_execute0_lowered;
	s3 =	sadd.s32 s3, s5;
	[dreg:$0x0] =	wrdreg $0x0  }
0xae: {  	s5 =	sshll.u32 s28, $0x1;
	[dreg:$0x2] =	wrdreg s3  }
0xaf: {  	[dreg:$0x3] =	wrdreg s5  }
0xb0: {  	[dreg:$0x4] =	wrdreg $0xC0  }
0xb1: {  	_ =	task [dreg:s7], $0x5FFFF  }
0xb2: {  	[dreg:$0x1] =	wrdreg $0xFFFFFFFF  }
0xb3: {  	[dreg:$0x0] =	wrdreg $0x60  }
0xb4: {  	[dreg:$0x2] =	wrdreg s24  }
0xb5: {  	[dreg:$0x3] =	wrdreg s16  }
0xb6: {  	[dreg:$0x4] =	wrdreg $0x0  }
0xb7: {  	[dreg:$0x5] =	wrdreg $0x140000  }
0xb8: {  	[dreg:$0x6] =	wrdreg $0x9  }
0xb9: {  	_ =	task.clear_ibuf [dreg:s7], $0x7FFFF;
	_ =	strace $0x90000046  }
0xba: {  	s29 =	simm.s32 $0x9;
	_ =	strace $0x80000048  }
0xbb: {  	_ =	swait.ge [sflag:s29], $0x1  }
0xbc: {  	[sflag:s29] =	ssyncadd.s32 $0xFFFFFFFF  }
0xbd: {  	_ =	strace $0x90000048  }
0xbe: {  	_ =	sfence  }
0xbf: {  	s30 =	sld [smem:$0x0];
	_ =	sdelay $0x2  }
0xc0: {  	s31 =	sshll.u32 s1, $0xD;
	s1 =	sshrl.u32 s1, $0x2  }
0xc1: {  	s3 =	sand.u32 $0x4000, s31;
	s1 =	sadd.s32 s1, s30  }
0xc2: {  	s0 =	sor.u32 s3, s0;
	s1 =	sshll.u32 s1, $0x11  }
0xc3: {  	s0 =	sor.u32 s1, s0  }
0xc4: {  	s0 =	sadd.s32 $0x8F2B, s0  }
0xc5: {  	[sflag:s0] =	ssyncadd.remote.s32 $0x1  }
0xc6: {  	_ =	sfence.sel $0xFFFF  }
0xc7: {  	[dreg:$0x0] =	wrdreg $0xFFFFFFFF;
	(pc) =	sbr.abs _section_cstart, $3  }
0xc8: {  	[dreg:$0x1] =	wrdreg $0xFFFFFFFF  }
0xc9: {  	_ =	task.clear_ibuf [dreg:s7], $0x2FFFF;
	_ =	strace $0x9FFFFFFF  }
0xca: {  	(tm) =	ssettm $0x7FFFFFFF  }
0xcb: {  	_ =	shalt  }
tec
execute0_lowered:
.L_overlay_start_1:
0x0: {  	(tag) =	ssettag $0x1  }
0x1: {  	s20 =	stileid.u32  }
0x2: {  	s4 =	smul.u32 $0x14000, s20  }
0x3: {  	s0 =	rddreg [dreg:$0x0];
	s9 =	smul.u32 $0x28000, s20  }
0x4: {  	s2 =	rddreg [dreg:$0x2];
	s11 =	smul.u32 $0x280, s20  }
0x5: {  	s3 =	rddreg [dreg:$0x3];
	s5 =	simm.s32 $0x0;
	s22 =	smul.u32 $0x50000, s20  }
0x6: {  	s7 =	srdreg.scid;
	s6 =	sadd.s32 $0x4EFE00, s0;
	s16 =	smul.u32 $0xA0, s20  }
0x7: {  	[smem:$0x7FF] =	sst s5;
	s1 =	sadd.s32 $0xEEFE00, s0;
	s17 =	smul.u32 $0xA00, s20  }
0x8: {  	s8 =	sadd.s32 $0x4E5E00, s0;
	s7 =	sand.u32 $0x1, s7;
	s19 =	smul.u32 $0x500000, s20  }
0x9: {  	_ =	strace $0x80000047;
	s12 =	sshll.u32 s7, $0xA;
	s13 =	smul.u32 $0x2800, s7  }
0xa: {  	s15 =	smul.u32 $0x140000, s7;
	s23 =	ssub.s32 $0x2, s7;
	s21 =	sor.u32 $0x4E, s7  }
0xb: {  	s10 =	sshrl.u32 s4, $0x3;
	s9 =	sor.u32 s12, s9;
	s14 =	sshrl.u32 s11, $0x3  }
0xc: {  	s18 =	sshrl.u32 s23, $0x1;
	s24 =	sadd.s32 s8, s17;
	s25 =	sadd.s32 $0x50, s16  }
0xd: {  	s30 =	sor.u32 s7, s16;
	s16 =	sadd.s32 s16, s21;
	s10 =	sadd.s32 s10, s0  }
0xe: {  	s9 =	sshrl.u32 s9, $0x3;
	s14 =	sadd.s32 s14, s0;
	s13 =	sadd.s32 s11, s13  }
0xf: {  	s4 =	sadd.s32 s4, s15;
	s15 =	sshrl.u32 s22, $0x2;
	[dreg:$0x7] =	wrdreg s24  }
0x10: {  	s26 =	sshll.u32 s25, $0x4;
	s28 =	sshll.u32 s25, $0xF;
	s24 =	sshll.u32 s20, $0x6  }
0x11: {  	s9 =	sadd.s32 s9, s0;
	s13 =	sshrl.u32 s13, $0x3;
	s4 =	sshrl.u32 s4, $0x3  }
0x12: {  	s15 =	sadd.s32 s15, s2;
	s29 =	sadd.s32 $0x3E00, s10;
	s10 =	sor.u32 s12, s19  }
0x13: {  	s8 =	sadd.s32 s8, s26;
	s17 =	sor.u32 s12, s28;
	s19 =	sor.u32 s7, s25  }
0x14: {  	s28 =	sadd.s32 $0x2BE00, s14;
	s13 =	sadd.s32 s13, s0;
	[dreg:$0x5] =	wrdreg s15  }
0x15: {  	s0 =	sadd.s32 s4, s0;
	s4 =	ssub.s32 s23, s18;
	[dreg:$0x8] =	wrdreg s8  }
0x16: {  	s18 =	sshll.u32 s30, $0xB;
	s12 =	sshll.u32 s19, $0xB;
	s15 =	sadd.s32 s25, s21  }
0x17: {  	s23 =	sshll.u32 s16, $0xB;
	s25 =	sadd.s32 s11, s3;
	s26 =	sshrl.u32 s10, $0x3  }
0x18: {  	[dreg:$0xe] =	wrdreg s28;
	s30 =	sshrl.u32 s17, $0x3;
	s8 =	sadd.s32 $0x2CE00, s9  }
0x19: {  	s9 =	sshll.u32 s7, $0x7;
	s11 =	sadd.s32 $0x278000, s10;
	s19 =	sshll.u32 s21, $0x7  }
0x1a: {  	s20 =	sor.u32 $0x8000, s10;
	s17 =	simm.s32 $0x400;
	[dreg:$0x6] =	wrdreg s29  }
0x1b: {  	s18 =	sadd.s32 s1, s18;
	s12 =	sadd.s32 s1, s12;
	[dreg:$0xd] =	wrdreg s25  }
0x1c: {  	s22 =	sshll.u32 s15, $0xB;
	s15 =	sor.u32 $0x1C03, s24;
	[dreg:$0x11] =	wrdreg s8  }
0x1d: {  	s0 =	sadd.s32 $0x7CE00, s0;
	s14 =	sadd.s32 $0x2C400, s13;
	s4 =	smax.u32 s4, $0x1  }
0x1e: {  	s21 =	sshrl.u32 s20, $0x3;
	s24 =	sadd.s32 $0x288000, s10;
	[dreg:$0xa] =	wrdreg s12  }
0x1f: {  	s20 =	simm.s32 $0x18280;
	s12 =	sadd.s32 s1, s22;
	[dreg:$0x12] =	wrdreg s0  }
0x20: {  	s1 =	sadd.s32 s1, s23;
	[dreg:$0x13] =	wrdreg s14;
	s0 =	sshrl.u32 s11, $0x3  }
0x21: {  	[dreg:$0x14] =	wrdreg s4;
	s22 =	sor.u32 $0x10000, s10;
	s23 =	sadd.s32 $0x290000, s10  }
0x22: {  	s31 =	sadd.s32 s21, s6;
	s28 =	sshrl.u32 s24, $0x3;
	[dreg:$0x9] =	wrdreg s18  }
0x23: {  	s13 =	sadd.s32 $0x2A000, s18;
	s14 =	simm.s32 $0x3;
	[dreg:$0xb] =	wrdreg s12  }
0x24: {  	s21 =	simm.s32 $0x1;
	[dreg:$0xc] =	wrdreg s1;
	s1 =	sadd.s32 s6, s26  }
0x25: {  	s12 =	sadd.s32 $0x4F8000, s10;
	s0 =	sadd.s32 s6, s0;
	s26 =	sadd.s32 $0x1C280, s9  }
0x26: {  	[dreg:$0x19] =	wrdreg s22;
	s25 =	sshrl.u32 s23, $0x3;
	s4 =	sadd.s32 s28, s6  }
0x27: {  	s22 =	simm.s32 $0x80;
	s23 =	simm.s32 $0x2;
	[dreg:$0xf] =	wrdreg s1  }
0x28: {  	s1 =	sadd.s32 s6, s30;
	s7 =	sshrl.u32 s12, $0x3;
	[dreg:$0x15] =	wrdreg s0  }
0x29: {  	s30 =	sadd.s32 $0x1E880, s9;
	s0 =	sadd.s32 $0x1C280, s19;
	s12 =	sadd.s32 $0x29000, s18  }
0x2a: {  	s19 =	simm.s32 $0x14280;
	[dreg:$0x10] =	wrdreg s1;
	s16 =	sadd.s32 s6, s7  }
0x2b: {  	[dreg:$0x18] =	wrdreg s0;
	s0 =	sadd.s32 s25, s6;
	s1 =	sadd.s32 $0x1000, s18  }
0x2c: {  	s7 =	sadd.s32 $0x2000, s18;
	s18 =	simm.s32 $0x800;
	[dreg:$0x17] =	wrdreg s30  }
0x2d: {  	s25 =	simm.s32 $0x0;
	[dreg:$0x16] =	wrdreg s16;
	s16 =	simm.s32 $0x1EA80  }
.LBB2_1:
0x2e: {  	s8 =	rddreg [dreg:$0x5]  }
0x2f: {  	s11 =	sshrl.u32 s8, $0x3  }
0x30: {  	[spmem:s11], [sflag:s15] =	dma.local [hbm:s29], $0x2800  }
0x31: {  	_ =	swait.ge [sflag:s14], $0x2800  }
0x32: {  	s24 =	rddreg [dreg:$0xd]  }
0x33: {  	[sflag:s14] =	ssyncset.done $0x0;
	s28 =	rddreg [dreg:$0xe];
	s9 =	sshrl.u32 s24, $0x3  }
0x34: {  	[sflag:s14] =	ssyncadd.s32 $0xFFFFD800;
	[dreg:$0x1a] =	wrdreg s9  }
0x35: {  	[spmem:s9], [sflag:s15] =	dma.local [hbm:s28], $0x50  }
0x36: {  	_ =	swait.ge [sflag:s14], $0x50  }
0x37: {  	[sflag:s14] =	ssyncset.done $0x0  }
0x38: {  	[sflag:s14] =	ssyncadd.s32 $0xFFFFFFB0  }
0x39: {  	s10 =	rddreg [dreg:$0x1]  }
0x3a: {  	[tilespmem:s16], [sflag:$0x3] =	stream.linear.gather [hbm4b:s10+s5], $0x80, $0x38;
	[tilespmem:$0x1EB00] =	vst v63  }
0x3b: {  	_ =	swait.ge [sflag:s14], $0x80  }
0x3c: {  	[sflag:s14] =	ssyncset.done $0x0  }
0x3d: {  	[sflag:s14] =	ssyncadd.s32 $0xFFFFFF80  }
0x3e: {  	[bflag:$0x0] =	sbarrier.arrive $0xFFFF  }
0x3f: {  	s10 =	simm.s32 $0x1C280;
	s24 =	rddreg [dreg:$0x7]  }
0x40: {  	[tilespmem:s10], [sflag:$0x3] =	stream.linear.gather [hbm4b:s24+s5], $0x2800, $0x38;
	[tilespmem:$0x1EB00] =	vst v63  }
0x41: {  	_ =	swait.ge [sflag:s14], $0x2800  }
0x42: {  	[sflag:s14] =	ssyncset.done $0x0  }
0x43: {  	s28 =	rddreg [dreg:$0xf];
	[sflag:s14] =	ssyncadd.s32 $0xFFFFD800  }
0x44: {  	[tilespmem:s19], [sflag:$0x1] =	stream.strided.gather [hbm4b:s28+s17], $0x4000, s18, s17, $0x38;
	[tilespmem:$0x1EB00] =	vst v63  }
0x45: {  	s8 =	sadd.s32 $0x0, s31  }
0x46: {  	[tilespmem:s20], [sflag:$0x2] =	stream.strided.gather [hbm4b:s8+s17], $0x4000, s18, s17, $0x38;
	[tilespmem:$0x1EB00] =	vst v63  }
0x47: {  	_ =	swait.ge [sflag:s21], $0x4000  }
0x48: {  	[sflag:s21] =	ssyncset.done $0x0  }
0x49: {  	[sflag:s21] =	ssyncadd.s32 $0xFFFFC000  }
0x4a: {  	[spmem:s2] =	stream.indirect.scatter.add.f32 [tilespmem:s19], [sflag:$0x3], $0x80, s10, s22, $0xb8;
	[tilespmem:$0x1EB00] =	vst v63  }
0x4b: {  	_ =	swait.ge [sflag:s14], $0x4000  }
0x4c: {  	s10 =	rddreg [dreg:$0x19]  }
0x4d: {  	[sflag:s14] =	ssyncset.done $0x0;
	s24 =	sshrl.u32 s10, $0x3  }
0x4e: {  	[sflag:s14] =	ssyncadd.s32 $0xFFFFC000;
	s9 =	sadd.s32 s6, s24  }
0x4f: {  	[tilespmem:s19], [sflag:$0x1] =	stream.strided.gather [hbm4b:s9+s17], $0x4000, s18, s17, $0x38;
	[tilespmem:$0x1EB00] =	vst v63  }
0x50: {  	_ =	swait.ge [sflag:s23], $0x4000  }
0x51: {  	[sflag:s23] =	ssyncset.done $0x0  }
0x52: {  	s28 =	simm.s32 $0x1C300;
	[sflag:s23] =	ssyncadd.s32 $0xFFFFC000  }
0x53: {  	[spmem:s2] =	stream.indirect.scatter.add.f32 [tilespmem:s20], [sflag:$0x3], $0x80, s28, s22, $0xb8;
	[tilespmem:$0x1EB00] =	vst v63  }
0x54: {  	s30 =	simm.s32 $0x2000;
	s10 =	sadd.s32 $0x10000, s10;
	_ =	swait.ge [sflag:s14], $0x4000  }
0x55: {  	s24 =	simm.s32 $0x4000;
	s9 =	simm.s32 $0x1C380;
	[sflag:s14] =	ssyncset.done $0x0  }
.LBB2_2:
0x56: {  	s8 =	sadd.s32 s30, s31  }
0x57: {  	[sflag:s14] =	ssyncadd.s32 $0xFFFFC000;
	s30 =	smov.u32 s24;
	s28 =	sadd.s32 $0x2000, s24  }
0x58: {  	[tilespmem:s20], [sflag:$0x2] =	stream.strided.gather [hbm4b:s8+s17], $0x4000, s18, s17, $0x38;
	[tilespmem:$0x1EB00] =	vst v63  }
0x59: {  	p0 =	sne.s32 s24, $0x4C000;
	_ =	swait.ge [sflag:s21], $0x4000  }
0x5a: {  	[sflag:s21] =	ssyncset.done $0x0  }
0x5b: {  	[sflag:s21] =	ssyncadd.s32 $0xFFFFC000  }
0x5c: {  	[spmem:s2] =	stream.indirect.scatter.add.f32 [tilespmem:s19], [sflag:$0x3], $0x80, s9, s22, $0xb8;
	[tilespmem:$0x1EB00] =	vst v63  }
0x5d: {  	_ =	swait.ge [sflag:s14], $0x4000  }
0x5e: {  	s8 =	sshrl.u32 s10, $0x3;
	[sflag:s14] =	ssyncset.done $0x0  }
0x5f: {  	s8 =	sadd.s32 s6, s8;
	[sflag:s14] =	ssyncadd.s32 $0xFFFFC000  }
0x60: {  	[tilespmem:s19], [sflag:$0x1] =	stream.strided.gather [hbm4b:s8+s17], $0x4000, s18, s17, $0x38;
	[tilespmem:$0x1EB00] =	vst v63  }
0x61: {  	_ =	swait.ge [sflag:s23], $0x4000  }
.Ltmp0:
0x62: {  	[sflag:s23] =	ssyncset.done $0x0;
	(pc) =	sbr.rel @p0 .LBB2_2-.Ltmp0, $4  }
0x63: {  	s8 =	sadd.s32 $0x80, s9;
	[sflag:s23] =	ssyncadd.s32 $0xFFFFC000  }
0x64: {  	[spmem:s2] =	stream.indirect.scatter.add.f32 [tilespmem:s20], [sflag:$0x3], $0x80, s8, s22, $0xb8;
	[tilespmem:$0x1EB00] =	vst v63  }
0x65: {  	s10 =	sadd.s32 $0x10000, s10;
	_ =	swait.ge [sflag:s14], $0x4000  }
0x66: {  	s24 =	smov.u32 s28;
	s9 =	sadd.s32 $0x100, s9;
	[sflag:s14] =	ssyncset.done $0x0  }
0x67: {  	s8 =	sadd.s32 s30, s31;
	[sflag:s14] =	ssyncadd.s32 $0xFFFFC000  }
0x68: {  	[tilespmem:s20], [sflag:$0x2] =	stream.strided.gather [hbm4b:s8+s17], $0x4000, s18, s17, $0x38;
	[tilespmem:$0x1EB00] =	vst v63  }
0x69: {  	_ =	swait.ge [sflag:s21], $0x4000  }
0x6a: {  	[sflag:s21] =	ssyncset.done $0x0  }
0x6b: {  	[sflag:s21] =	ssyncadd.s32 $0xFFFFC000  }
0x6c: {  	[spmem:s2] =	stream.indirect.scatter.add.f32 [tilespmem:s19], [sflag:$0x3], $0x80, s9, s22, $0xb8;
	[tilespmem:$0x1EB00] =	vst v63  }
0x6d: {  	_ =	swait.ge [sflag:s14], $0x4000  }
0x6e: {  	s24 =	sshrl.u32 s10, $0x3;
	[sflag:s14] =	ssyncset.done $0x0  }
0x6f: {  	s8 =	sadd.s32 s6, s24;
	[sflag:s14] =	ssyncadd.s32 $0xFFFFC000  }
0x70: {  	[tilespmem:s19], [sflag:$0x1] =	stream.strided.gather [hbm4b:s8+s17], $0x4000, s18, s17, $0x38;
	[tilespmem:$0x1EB00] =	vst v63  }
0x71: {  	_ =	swait.ge [sflag:s23], $0x4000  }
0x72: {  	[sflag:s23] =	ssyncset.done $0x0  }
0x73: {  	s28 =	sadd.s32 $0x80, s9;
	[sflag:s23] =	ssyncadd.s32 $0xFFFFC000  }
0x74: {  	[spmem:s2] =	stream.indirect.scatter.add.f32 [tilespmem:s20], [sflag:$0x3], $0x80, s28, s22, $0xb8;
	[tilespmem:$0x1EB00] =	vst v63  }
0x75: {  	_ =	swait.ge [sflag:s14], $0x4000  }
0x76: {  	[sflag:s14] =	ssyncset.done $0x0  }
0x77: {  	s30 =	rddreg [dreg:$0x15];
	[sflag:s14] =	ssyncadd.s32 $0xFFFFC000  }
0x78: {  	[tilespmem:s20], [sflag:$0x2] =	stream.strided.gather [hbm4b:s30+s17], $0x4000, s18, s17, $0x38;
	[tilespmem:$0x1EB00] =	vst v63  }
0x79: {  	_ =	swait.ge [sflag:s21], $0x4000  }
0x7a: {  	[sflag:s21] =	ssyncset.done $0x0  }
0x7b: {  	s9 =	simm.s32 $0x1E980;
	[sflag:s21] =	ssyncadd.s32 $0xFFFFC000  }
0x7c: {  	[spmem:s2] =	stream.indirect.scatter.add.f32 [tilespmem:s19], [sflag:$0x3], $0x80, s9, s22, $0xb8;
	[tilespmem:$0x1EB00] =	vst v63  }
0x7d: {  	_ =	swait.ge [sflag:s14], $0x4000  }
0x7e: {  	[sflag:s14] =	ssyncset.done $0x0  }
0x7f: {  	[sflag:s14] =	ssyncadd.s32 $0xFFFFC000  }
0x80: {  	_ =	swait.ge [sflag:s23], $0x4000  }
0x81: {  	[sflag:s23] =	ssyncset.done $0x0  }
0x82: {  	s10 =	simm.s32 $0x1EA00;
	[sflag:s23] =	ssyncadd.s32 $0xFFFFC000  }
0x83: {  	[spmem:s2] =	stream.indirect.scatter.add.f32 [tilespmem:s20], [sflag:$0x3], $0x80, s10, s22, $0xb8;
	[tilespmem:$0x1EB00] =	vst v63  }
0x84: {  	_ =	swait.ge [sflag:s14], $0x4000  }
0x85: {  	s24 =	simm.s32 $0x0;
	[sflag:s14] =	ssyncset.done $0x0  }
0x86: {  	s28 =	simm.s32 $0x1C280;
	s30 =	rddreg [dreg:$0x8];
	[sflag:s14] =	ssyncadd.s32 $0xFFFFC000  }
0x87: {  	[tilespmem:s28], [sflag:$0x3] =	stream.linear.gather [hbm4b:s30+s24], $0x2800, $0x38;
	[tilespmem:$0x1EB00] =	vst v63  }
0x88: {  	_ =	swait.ge [sflag:s14], $0x2800  }
0x89: {  	[sflag:s14] =	ssyncset.done $0x0  }
0x8a: {  	s10 =	rddreg [dreg:$0x10];
	[sflag:s14] =	ssyncadd.s32 $0xFFFFD800  }
0x8b: {  	[tilespmem:s19], [sflag:$0x1] =	stream.strided.gather [hbm4b:s10+s17], $0x4000, s18, s17, $0x38;
	[tilespmem:$0x1EB00] =	vst v63  }
0x8c: {  	s24 =	sadd.s32 $0x0, s4  }
0x8d: {  	[tilespmem:s20], [sflag:$0x2] =	stream.strided.gather [hbm4b:s24+s17], $0x4000, s18, s17, $0x38;
	[tilespmem:$0x1EB00] =	vst v63  }
0x8e: {  	_ =	swait.ge [sflag:s21], $0x4000  }
0x8f: {  	[sflag:s21] =	ssyncset.done $0x0  }
0x90: {  	[sflag:s21] =	ssyncadd.s32 $0xFFFFC000  }
0x91: {  	[spmem:s2] =	stream.indirect.scatter.add.f32 [tilespmem:s19], [sflag:$0x3], $0x80, s28, s22, $0xb8;
	[tilespmem:$0x1EB00] =	vst v63  }
0x92: {  	_ =	swait.ge [sflag:s14], $0x4000  }
0x93: {  	[sflag:s14] =	ssyncset.done $0x0  }
0x94: {  	s28 =	sadd.s32 $0x0, s0;
	[sflag:s14] =	ssyncadd.s32 $0xFFFFC000  }
0x95: {  	[tilespmem:s19], [sflag:$0x1] =	stream.strided.gather [hbm4b:s28+s17], $0x4000, s18, s17, $0x38;
	[tilespmem:$0x1EB00] =	vst v63  }
0x96: {  	_ =	swait.ge [sflag:s23], $0x4000  }
0x97: {  	[sflag:s23] =	ssyncset.done $0x0  }
0x98: {  	s30 =	simm.s32 $0x1C300;
	[sflag:s23] =	ssyncadd.s32 $0xFFFFC000  }
0x99: {  	[spmem:s2] =	stream.indirect.scatter.add.f32 [tilespmem:s20], [sflag:$0x3], $0x80, s30, s22, $0xb8;
	[tilespmem:$0x1EB00] =	vst v63  }
0x9a: {  	s9 =	simm.s32 $0x1C380;
	_ =	swait.ge [sflag:s14], $0x4000  }
0x9b: {  	s10 =	simm.s32 $0x2000;
	s24 =	simm.s32 $0x4000;
	[sflag:s14] =	ssyncset.done $0x0  }
.LBB2_4:
0x9c: {  	s8 =	sadd.s32 s10, s4  }
0x9d: {  	[sflag:s14] =	ssyncadd.s32 $0xFFFFC000;
	s28 =	smov.u32 s24;
	s30 =	sadd.s32 $0x2000, s24  }
0x9e: {  	[tilespmem:s20], [sflag:$0x2] =	stream.strided.gather [hbm4b:s8+s17], $0x4000, s18, s17, $0x38;
	[tilespmem:$0x1EB00] =	vst v63  }
0x9f: {  	p0 =	sne.s32 s24, $0x4C000;
	_ =	swait.ge [sflag:s21], $0x4000  }
0xa0: {  	[sflag:s21] =	ssyncset.done $0x0  }
0xa1: {  	[sflag:s21] =	ssyncadd.s32 $0xFFFFC000  }
0xa2: {  	[spmem:s2] =	stream.indirect.scatter.add.f32 [tilespmem:s19], [sflag:$0x3], $0x80, s9, s22, $0xb8;
	[tilespmem:$0x1EB00] =	vst v63  }
0xa3: {  	_ =	swait.ge [sflag:s14], $0x4000  }
0xa4: {  	[sflag:s14] =	ssyncset.done $0x0  }
0xa5: {  	s8 =	sadd.s32 s10, s0;
	s10 =	smov.u32 s28;
	[sflag:s14] =	ssyncadd.s32 $0xFFFFC000  }
0xa6: {  	[tilespmem:s19], [sflag:$0x1] =	stream.strided.gather [hbm4b:s8+s17], $0x4000, s18, s17, $0x38;
	[tilespmem:$0x1EB00] =	vst v63  }
0xa7: {  	_ =	swait.ge [sflag:s23], $0x4000  }
.Ltmp1:
0xa8: {  	[sflag:s23] =	ssyncset.done $0x0;
	(pc) =	sbr.rel @p0 .LBB2_4-.Ltmp1, $4  }
0xa9: {  	s8 =	sadd.s32 $0x80, s9;
	[sflag:s23] =	ssyncadd.s32 $0xFFFFC000  }
0xaa: {  	[spmem:s2] =	stream.indirect.scatter.add.f32 [tilespmem:s20], [sflag:$0x3], $0x80, s8, s22, $0xb8;
	[tilespmem:$0x1EB00] =	vst v63  }
0xab: {  	_ =	swait.ge [sflag:s14], $0x4000  }
0xac: {  	s24 =	smov.u32 s30;
	s9 =	sadd.s32 $0x100, s9;
	[sflag:s14] =	ssyncset.done $0x0  }
0xad: {  	s8 =	sadd.s32 s10, s4;
	[sflag:s14] =	ssyncadd.s32 $0xFFFFC000  }
0xae: {  	[tilespmem:s20], [sflag:$0x2] =	stream.strided.gather [hbm4b:s8+s17], $0x4000, s18, s17, $0x38;
	[tilespmem:$0x1EB00] =	vst v63  }
0xaf: {  	_ =	swait.ge [sflag:s21], $0x4000  }
0xb0: {  	[sflag:s21] =	ssyncset.done $0x0  }
0xb1: {  	[sflag:s21] =	ssyncadd.s32 $0xFFFFC000  }
0xb2: {  	[spmem:s2] =	stream.indirect.scatter.add.f32 [tilespmem:s19], [sflag:$0x3], $0x80, s9, s22, $0xb8;
	[tilespmem:$0x1EB00] =	vst v63  }
0xb3: {  	_ =	swait.ge [sflag:s14], $0x4000  }
0xb4: {  	[sflag:s14] =	ssyncset.done $0x0  }
0xb5: {  	s28 =	sadd.s32 s10, s0;
	[sflag:s14] =	ssyncadd.s32 $0xFFFFC000  }
0xb6: {  	[tilespmem:s19], [sflag:$0x1] =	stream.strided.gather [hbm4b:s28+s17], $0x4000, s18, s17, $0x38;
	[tilespmem:$0x1EB00] =	vst v63  }
0xb7: {  	_ =	swait.ge [sflag:s23], $0x4000  }
0xb8: {  	[sflag:s23] =	ssyncset.done $0x0  }
0xb9: {  	s9 =	sadd.s32 $0x80, s9;
	[sflag:s23] =	ssyncadd.s32 $0xFFFFC000  }
0xba: {  	[spmem:s2] =	stream.indirect.scatter.add.f32 [tilespmem:s20], [sflag:$0x3], $0x80, s9, s22, $0xb8;
	[tilespmem:$0x1EB00] =	vst v63  }
0xbb: {  	_ =	swait.ge [sflag:s14], $0x4000  }
0xbc: {  	[sflag:s14] =	ssyncset.done $0x0  }
0xbd: {  	s10 =	rddreg [dreg:$0x16];
	[sflag:s14] =	ssyncadd.s32 $0xFFFFC000  }
0xbe: {  	[tilespmem:s20], [sflag:$0x2] =	stream.strided.gather [hbm4b:s10+s17], $0x4000, s18, s17, $0x38;
	[tilespmem:$0x1EB00] =	vst v63  }
0xbf: {  	_ =	swait.ge [sflag:s21], $0x4000  }
0xc0: {  	[sflag:s21] =	ssyncset.done $0x0  }
0xc1: {  	s24 =	simm.s32 $0x1E980;
	[sflag:s21] =	ssyncadd.s32 $0xFFFFC000  }
0xc2: {  	[spmem:s2] =	stream.indirect.scatter.add.f32 [tilespmem:s19], [sflag:$0x3], $0x80, s24, s22, $0xb8;
	[tilespmem:$0x1EB00] =	vst v63  }
0xc3: {  	_ =	swait.ge [sflag:s14], $0x4000  }
0xc4: {  	[sflag:s14] =	ssyncset.done $0x0  }
0xc5: {  	[sflag:s14] =	ssyncadd.s32 $0xFFFFC000  }
0xc6: {  	_ =	swait.ge [sflag:s23], $0x4000  }
0xc7: {  	[sflag:s23] =	ssyncset.done $0x0  }
0xc8: {  	s28 =	simm.s32 $0x1EA00;
	[sflag:s23] =	ssyncadd.s32 $0xFFFFC000  }
0xc9: {  	[spmem:s2] =	stream.indirect.scatter.add.f32 [tilespmem:s20], [sflag:$0x3], $0x80, s28, s22, $0xb8;
	[tilespmem:$0x1EB00] =	vst v63  }
0xca: {  	_ =	swait.ge [sflag:s14], $0x4000  }
0xcb: {  	[sflag:s14] =	ssyncset.done $0x0  }
0xcc: {  	[sflag:s14] =	ssyncadd.s32 $0xFFFFC000  }
0xcd: {  	[bflag:$0x0] =	sbarrier.arrive $0xFFFF  }
0xce: {  	s10 =	simm.s32 $0x8;
	s24 =	simm.s32 $0x100;
	s9 =	rddreg [dreg:$0x11]  }
0xcf: {  	[hbm:s9@s24], [sflag:s15] =	dma.strided [spmem:s11@s22], $0x2800, s10, $0x10   }
0xd0: {  	_ =	swait.ge [sflag:s14], $0x2800  }
0xd1: {  	[sflag:s14] =	ssyncset.done $0x0  }
0xd2: {  	[sflag:s14] =	ssyncadd.s32 $0xFFFFD800  }
0xd3: {  	[spmem:s11], [sflag:s15] =	dma.local [hbm:s29], $0x2800  }
0xd4: {  	_ =	swait.ge [sflag:s14], $0x2800  }
0xd5: {  	[sflag:s14] =	ssyncset.done $0x0  }
0xd6: {  	[sflag:s14] =	ssyncadd.s32 $0xFFFFD800  }
0xd7: {  	[bflag:$0x0] =	sbarrier.arrive $0xFFFF  }
0xd8: {  	s8 =	simm.s32 $0x0;
	s29 =	simm.s32 $0x1C280;
	s28 =	rddreg [dreg:$0x7]  }
0xd9: {  	[tilespmem:s29], [sflag:$0x3] =	stream.linear.gather [hbm4b:s28+s8], $0x2800, $0x38;
	[tilespmem:$0x1EB00] =	vst v63  }
0xda: {  	_ =	swait.ge [sflag:s14], $0x2800  }
0xdb: {  	[sflag:s14] =	ssyncset.done $0x0  }
0xdc: {  	s24 =	rddreg [dreg:$0x9];
	[sflag:s14] =	ssyncadd.s32 $0xFFFFD800  }
0xdd: {  	[tilespmem:s19], [sflag:$0x1] =	stream.linear.gather [hbm4b:s24+s8], $0x4000, $0x38;
	[tilespmem:$0x1EB00] =	vst v63  }
0xde: {  	s28 =	sadd.s32 $0x0, s1  }
0xdf: {  	[tilespmem:s20], [sflag:$0x2] =	stream.linear.gather [hbm4b:s28+s5], $0x4000, $0x38;
	[tilespmem:$0x1EB00] =	vst v63  }
0xe0: {  	_ =	swait.ge [sflag:s21], $0x4000  }
0xe1: {  	[sflag:s21] =	ssyncset.done $0x0  }
0xe2: {  	[sflag:s21] =	ssyncadd.s32 $0xFFFFC000  }
0xe3: {  	[spmem:s2] =	stream.indirect.scatter.add.f32 [tilespmem:s19], [sflag:$0x3], $0x80, s26, s22, $0xb8;
	[tilespmem:$0x1EB00] =	vst v63  }
0xe4: {  	_ =	swait.ge [sflag:s14], $0x4000  }
0xe5: {  	[sflag:s14] =	ssyncset.done $0x0  }
0xe6: {  	[sflag:s14] =	ssyncadd.s32 $0xFFFFC000  }
0xe7: {  	[spmem:s3] =	stream.indirect.scatter.add.f32 [tilespmem:s16], [sflag:$0x3], $0x1, s26, s22, $0xb8;
	[tilespmem:$0x1EB00] =	vst v63  }
0xe8: {  	_ =	swait.ge [sflag:s14], $0x80  }
0xe9: {  	[sflag:s14] =	ssyncset.done $0x0  }
0xea: {  	s29 =	sadd.s32 $0x0, s7;
	[sflag:s14] =	ssyncadd.s32 $0xFFFFFF80  }
0xeb: {  	[tilespmem:s19], [sflag:$0x1] =	stream.linear.gather [hbm4b:s29+s5], $0x4000, $0x38;
	[tilespmem:$0x1EB00] =	vst v63  }
0xec: {  	_ =	swait.ge [sflag:s23], $0x4000  }
0xed: {  	[sflag:s23] =	ssyncset.done $0x0  }
0xee: {  	s9 =	sadd.s32 $0x100, s26;
	[sflag:s23] =	ssyncadd.s32 $0xFFFFC000  }
0xef: {  	[spmem:s2] =	stream.indirect.scatter.add.f32 [tilespmem:s20], [sflag:$0x3], $0x80, s9, s22, $0xb8;
	[tilespmem:$0x1EB00] =	vst v63  }
0xf0: {  	_ =	swait.ge [sflag:s14], $0x4000  }
0xf1: {  	[sflag:s14] =	ssyncset.done $0x0  }
0xf2: {  	[sflag:s14] =	ssyncadd.s32 $0xFFFFC000  }
0xf3: {  	[spmem:s3] =	stream.indirect.scatter.add.f32 [tilespmem:s16], [sflag:$0x3], $0x1, s9, s22, $0xb8;
	[tilespmem:$0x1EB00] =	vst v63  }
0xf4: {  	s30 =	simm.s32 $0x2000;
	_ =	swait.ge [sflag:s14], $0x80  }
0xf5: {  	s10 =	sadd.s32 $0x200, s26;
	s24 =	simm.s32 $0x4000;
	[sflag:s14] =	ssyncset.done $0x0  }
.LBB2_6:
0xf6: {  	s8 =	sadd.s32 s30, s1  }
0xf7: {  	[sflag:s14] =	ssyncadd.s32 $0xFFFFFF80;
	s28 =	smov.u32 s24;
	s29 =	sadd.s32 $0x2000, s24  }
0xf8: {  	[tilespmem:s20], [sflag:$0x2] =	stream.linear.gather [hbm4b:s8+s5], $0x4000, $0x38;
	[tilespmem:$0x1EB00] =	vst v63  }
0xf9: {  	p0 =	sne.s32 s24, $0x24000;
	_ =	swait.ge [sflag:s21], $0x4000  }
0xfa: {  	[sflag:s21] =	ssyncset.done $0x0  }
0xfb: {  	[sflag:s21] =	ssyncadd.s32 $0xFFFFC000  }
0xfc: {  	[spmem:s2] =	stream.indirect.scatter.add.f32 [tilespmem:s19], [sflag:$0x3], $0x80, s10, s22, $0xb8;
	[tilespmem:$0x1EB00] =	vst v63  }
0xfd: {  	_ =	swait.ge [sflag:s14], $0x4000  }
0xfe: {  	[sflag:s14] =	ssyncset.done $0x0  }
0xff: {  	[sflag:s14] =	ssyncadd.s32 $0xFFFFC000  }
0x100: {  	[spmem:s3] =	stream.indirect.scatter.add.f32 [tilespmem:s16], [sflag:$0x3], $0x1, s10, s22, $0xb8;
	[tilespmem:$0x1EB00] =	vst v63  }
0x101: {  	_ =	swait.ge [sflag:s14], $0x80  }
0x102: {  	[sflag:s14] =	ssyncset.done $0x0  }
0x103: {  	s8 =	sadd.s32 s30, s7;
	s30 =	smov.u32 s28;
	[sflag:s14] =	ssyncadd.s32 $0xFFFFFF80  }
0x104: {  	[tilespmem:s19], [sflag:$0x1] =	stream.linear.gather [hbm4b:s8+s5], $0x4000, $0x38;
	[tilespmem:$0x1EB00] =	vst v63  }
0x105: {  	_ =	swait.ge [sflag:s23], $0x4000  }
0x106: {  	[sflag:s23] =	ssyncset.done $0x0  }
0x107: {  	s8 =	sadd.s32 $0x100, s10;
	[sflag:s23] =	ssyncadd.s32 $0xFFFFC000  }
0x108: {  	[spmem:s2] =	stream.indirect.scatter.add.f32 [tilespmem:s20], [sflag:$0x3], $0x80, s8, s22, $0xb8;
	[tilespmem:$0x1EB00] =	vst v63  }
0x109: {  	_ =	swait.ge [sflag:s14], $0x4000  }
.Ltmp2:
0x10a: {  	[sflag:s14] =	ssyncset.done $0x0;
	(pc) =	sbr.rel @p0 .LBB2_6-.Ltmp2, $4  }
0x10b: {  	[sflag:s14] =	ssyncadd.s32 $0xFFFFC000  }
0x10c: {  	[spmem:s3] =	stream.indirect.scatter.add.f32 [tilespmem:s16], [sflag:$0x3], $0x1, s8, s22, $0xb8;
	[tilespmem:$0x1EB00] =	vst v63  }
0x10d: {  	_ =	swait.ge [sflag:s14], $0x80  }
0x10e: {  	s24 =	smov.u32 s29;
	s10 =	sadd.s32 $0x200, s10;
	[sflag:s14] =	ssyncset.done $0x0  }
0x10f: {  	s8 =	sadd.s32 s30, s1;
	[sflag:s14] =	ssyncadd.s32 $0xFFFFFF80  }
0x110: {  	[tilespmem:s20], [sflag:$0x2] =	stream.linear.gather [hbm4b:s8+s5], $0x4000, $0x38;
	[tilespmem:$0x1EB00] =	vst v63  }
0x111: {  	_ =	swait.ge [sflag:s21], $0x4000  }
0x112: {  	[sflag:s21] =	ssyncset.done $0x0  }
0x113: {  	[sflag:s21] =	ssyncadd.s32 $0xFFFFC000  }
0x114: {  	[spmem:s2] =	stream.indirect.scatter.add.f32 [tilespmem:s19], [sflag:$0x3], $0x80, s10, s22, $0xb8;
	[tilespmem:$0x1EB00] =	vst v63  }
0x115: {  	_ =	swait.ge [sflag:s14], $0x4000  }
0x116: {  	[sflag:s14] =	ssyncset.done $0x0  }
0x117: {  	[sflag:s14] =	ssyncadd.s32 $0xFFFFC000  }
0x118: {  	[spmem:s3] =	stream.indirect.scatter.add.f32 [tilespmem:s16], [sflag:$0x3], $0x1, s10, s22, $0xb8;
	[tilespmem:$0x1EB00] =	vst v63  }
0x119: {  	_ =	swait.ge [sflag:s14], $0x80  }
0x11a: {  	[sflag:s14] =	ssyncset.done $0x0  }
0x11b: {  	s29 =	sadd.s32 s30, s7;
	[sflag:s14] =	ssyncadd.s32 $0xFFFFFF80  }
0x11c: {  	[tilespmem:s19], [sflag:$0x1] =	stream.linear.gather [hbm4b:s29+s5], $0x4000, $0x38;
	[tilespmem:$0x1EB00] =	vst v63  }
0x11d: {  	_ =	swait.ge [sflag:s23], $0x4000  }
0x11e: {  	[sflag:s23] =	ssyncset.done $0x0  }
0x11f: {  	s10 =	sadd.s32 $0x100, s10;
	[sflag:s23] =	ssyncadd.s32 $0xFFFFC000  }
0x120: {  	[spmem:s2] =	stream.indirect.scatter.add.f32 [tilespmem:s20], [sflag:$0x3], $0x80, s10, s22, $0xb8;
	[tilespmem:$0x1EB00] =	vst v63  }
0x121: {  	_ =	swait.ge [sflag:s14], $0x4000  }
0x122: {  	[sflag:s14] =	ssyncset.done $0x0  }
0x123: {  	[sflag:s14] =	ssyncadd.s32 $0xFFFFC000  }
0x124: {  	[spmem:s3] =	stream.indirect.scatter.add.f32 [tilespmem:s16], [sflag:$0x3], $0x1, s10, s22, $0xb8;
	[tilespmem:$0x1EB00] =	vst v63  }
0x125: {  	_ =	swait.ge [sflag:s14], $0x80  }
0x126: {  	[sflag:s14] =	ssyncset.done $0x0  }
0x127: {  	s8 =	simm.s32 $0x0;
	s24 =	rddreg [dreg:$0xc];
	[sflag:s14] =	ssyncadd.s32 $0xFFFFFF80  }
0x128: {  	[tilespmem:s20], [sflag:$0x2] =	stream.linear.gather [hbm4b:s24+s8], $0x4000, $0x38;
	[tilespmem:$0x1EB00] =	vst v63  }
0x129: {  	_ =	swait.ge [sflag:s21], $0x4000  }
0x12a: {  	[sflag:s21] =	ssyncset.done $0x0  }
0x12b: {  	s30 =	rddreg [dreg:$0x17];
	[sflag:s21] =	ssyncadd.s32 $0xFFFFC000  }
0x12c: {  	[spmem:s2] =	stream.indirect.scatter.add.f32 [tilespmem:s19], [sflag:$0x3], $0x80, s30, s22, $0xb8;
	[tilespmem:$0x1EB00] =	vst v63  }
0x12d: {  	_ =	swait.ge [sflag:s14], $0x4000  }
0x12e: {  	[sflag:s14] =	ssyncset.done $0x0  }
0x12f: {  	[sflag:s14] =	ssyncadd.s32 $0xFFFFC000  }
0x130: {  	[spmem:s3] =	stream.indirect.scatter.add.f32 [tilespmem:s16], [sflag:$0x3], $0x1, s30, s22, $0xb8;
	[tilespmem:$0x1EB00] =	vst v63  }
0x131: {  	_ =	swait.ge [sflag:s14], $0x80  }
0x132: {  	[sflag:s14] =	ssyncset.done $0x0  }
0x133: {  	[sflag:s14] =	ssyncadd.s32 $0xFFFFFF80  }
0x134: {  	_ =	swait.ge [sflag:s23], $0x4000  }
0x135: {  	[sflag:s23] =	ssyncset.done $0x0  }
0x136: {  	s28 =	rddreg [dreg:$0x18];
	[sflag:s23] =	ssyncadd.s32 $0xFFFFC000  }
0x137: {  	[spmem:s2] =	stream.indirect.scatter.add.f32 [tilespmem:s20], [sflag:$0x3], $0x80, s28, s22, $0xb8;
	[tilespmem:$0x1EB00] =	vst v63  }
0x138: {  	_ =	swait.ge [sflag:s14], $0x4000  }
0x139: {  	[sflag:s14] =	ssyncset.done $0x0  }
0x13a: {  	[sflag:s14] =	ssyncadd.s32 $0xFFFFC000  }
0x13b: {  	[spmem:s3] =	stream.indirect.scatter.add.f32 [tilespmem:s16], [sflag:$0x3], $0x1, s28, s22, $0xb8;
	[tilespmem:$0x1EB00] =	vst v63  }
0x13c: {  	_ =	swait.ge [sflag:s14], $0x80  }
0x13d: {  	[sflag:s14] =	ssyncset.done $0x0  }
0x13e: {  	s24 =	simm.s32 $0x1C280;
	s29 =	rddreg [dreg:$0x8];
	[sflag:s14] =	ssyncadd.s32 $0xFFFFFF80  }
0x13f: {  	[tilespmem:s24], [sflag:$0x3] =	stream.linear.gather [hbm4b:s29+s8], $0x2800, $0x38;
	[tilespmem:$0x1EB00] =	vst v63  }
0x140: {  	_ =	swait.ge [sflag:s14], $0x2800  }
0x141: {  	[sflag:s14] =	ssyncset.done $0x0  }
0x142: {  	s24 =	rddreg [dreg:$0xa];
	[sflag:s14] =	ssyncadd.s32 $0xFFFFD800  }
0x143: {  	[tilespmem:s19], [sflag:$0x1] =	stream.linear.gather [hbm4b:s24+s8], $0x4000, $0x38;
	[tilespmem:$0x1EB00] =	vst v63  }
0x144: {  	s28 =	sadd.s32 $0x0, s12  }
0x145: {  	[tilespmem:s20], [sflag:$0x2] =	stream.linear.gather [hbm4b:s28+s5], $0x4000, $0x38;
	[tilespmem:$0x1EB00] =	vst v63  }
0x146: {  	_ =	swait.ge [sflag:s21], $0x4000  }
0x147: {  	[sflag:s21] =	ssyncset.done $0x0  }
0x148: {  	[sflag:s21] =	ssyncadd.s32 $0xFFFFC000  }
0x149: {  	[spmem:s2] =	stream.indirect.scatter.add.f32 [tilespmem:s19], [sflag:$0x3], $0x80, s26, s22, $0xb8;
	[tilespmem:$0x1EB00] =	vst v63  }
0x14a: {  	_ =	swait.ge [sflag:s14], $0x4000  }
0x14b: {  	[sflag:s14] =	ssyncset.done $0x0  }
0x14c: {  	[sflag:s14] =	ssyncadd.s32 $0xFFFFC000  }
0x14d: {  	[spmem:s3] =	stream.indirect.scatter.add.f32 [tilespmem:s16], [sflag:$0x3], $0x1, s26, s22, $0xb8;
	[tilespmem:$0x1EB00] =	vst v63  }
0x14e: {  	_ =	swait.ge [sflag:s14], $0x80  }
0x14f: {  	[sflag:s14] =	ssyncset.done $0x0  }
0x150: {  	s29 =	sadd.s32 $0x0, s13;
	[sflag:s14] =	ssyncadd.s32 $0xFFFFFF80  }
0x151: {  	[tilespmem:s19], [sflag:$0x1] =	stream.linear.gather [hbm4b:s29+s5], $0x4000, $0x38;
	[tilespmem:$0x1EB00] =	vst v63  }
0x152: {  	_ =	swait.ge [sflag:s23], $0x4000  }
0x153: {  	[sflag:s23] =	ssyncset.done $0x0  }
0x154: {  	[sflag:s23] =	ssyncadd.s32 $0xFFFFC000  }
0x155: {  	[spmem:s2] =	stream.indirect.scatter.add.f32 [tilespmem:s20], [sflag:$0x3], $0x80, s9, s22, $0xb8;
	[tilespmem:$0x1EB00] =	vst v63  }
0x156: {  	_ =	swait.ge [sflag:s14], $0x4000  }
0x157: {  	[sflag:s14] =	ssyncset.done $0x0  }
0x158: {  	[sflag:s14] =	ssyncadd.s32 $0xFFFFC000  }
0x159: {  	[spmem:s3] =	stream.indirect.scatter.add.f32 [tilespmem:s16], [sflag:$0x3], $0x1, s9, s22, $0xb8;
	[tilespmem:$0x1EB00] =	vst v63  }
0x15a: {  	s10 =	simm.s32 $0x2000;
	_ =	swait.ge [sflag:s14], $0x80  }
0x15b: {  	s24 =	simm.s32 $0x4000;
	s9 =	sadd.s32 $0x200, s26;
	[sflag:s14] =	ssyncset.done $0x0  }
.LBB2_8:
0x15c: {  	s8 =	sadd.s32 s10, s12  }
0x15d: {  	[sflag:s14] =	ssyncadd.s32 $0xFFFFFF80;
	s28 =	smov.u32 s24;
	s29 =	sadd.s32 $0x2000, s24  }
0x15e: {  	[tilespmem:s20], [sflag:$0x2] =	stream.linear.gather [hbm4b:s8+s5], $0x4000, $0x38;
	[tilespmem:$0x1EB00] =	vst v63  }
0x15f: {  	p0 =	sne.s32 s24, $0x24000;
	_ =	swait.ge [sflag:s21], $0x4000  }
0x160: {  	[sflag:s21] =	ssyncset.done $0x0  }
0x161: {  	[sflag:s21] =	ssyncadd.s32 $0xFFFFC000  }
0x162: {  	[spmem:s2] =	stream.indirect.scatter.add.f32 [tilespmem:s19], [sflag:$0x3], $0x80, s9, s22, $0xb8;
	[tilespmem:$0x1EB00] =	vst v63  }
0x163: {  	_ =	swait.ge [sflag:s14], $0x4000  }
0x164: {  	[sflag:s14] =	ssyncset.done $0x0  }
0x165: {  	[sflag:s14] =	ssyncadd.s32 $0xFFFFC000  }
0x166: {  	[spmem:s3] =	stream.indirect.scatter.add.f32 [tilespmem:s16], [sflag:$0x3], $0x1, s9, s22, $0xb8;
	[tilespmem:$0x1EB00] =	vst v63  }
0x167: {  	_ =	swait.ge [sflag:s14], $0x80  }
0x168: {  	[sflag:s14] =	ssyncset.done $0x0  }
0x169: {  	s8 =	sadd.s32 s10, s13;
	s10 =	smov.u32 s28;
	[sflag:s14] =	ssyncadd.s32 $0xFFFFFF80  }
0x16a: {  	[tilespmem:s19], [sflag:$0x1] =	stream.linear.gather [hbm4b:s8+s5], $0x4000, $0x38;
	[tilespmem:$0x1EB00] =	vst v63  }
0x16b: {  	_ =	swait.ge [sflag:s23], $0x4000  }
0x16c: {  	[sflag:s23] =	ssyncset.done $0x0  }
0x16d: {  	s8 =	sadd.s32 $0x100, s9;
	[sflag:s23] =	ssyncadd.s32 $0xFFFFC000  }
0x16e: {  	[spmem:s2] =	stream.indirect.scatter.add.f32 [tilespmem:s20], [sflag:$0x3], $0x80, s8, s22, $0xb8;
	[tilespmem:$0x1EB00] =	vst v63  }
0x16f: {  	_ =	swait.ge [sflag:s14], $0x4000  }
.Ltmp3:
0x170: {  	[sflag:s14] =	ssyncset.done $0x0;
	(pc) =	sbr.rel @p0 .LBB2_8-.Ltmp3, $4  }
0x171: {  	[sflag:s14] =	ssyncadd.s32 $0xFFFFC000  }
0x172: {  	[spmem:s3] =	stream.indirect.scatter.add.f32 [tilespmem:s16], [sflag:$0x3], $0x1, s8, s22, $0xb8;
	[tilespmem:$0x1EB00] =	vst v63  }
0x173: {  	_ =	swait.ge [sflag:s14], $0x80  }
0x174: {  	s24 =	smov.u32 s29;
	s9 =	sadd.s32 $0x200, s9;
	[sflag:s14] =	ssyncset.done $0x0  }
0x175: {  	s8 =	sadd.s32 s10, s12;
	[sflag:s14] =	ssyncadd.s32 $0xFFFFFF80  }
0x176: {  	[tilespmem:s20], [sflag:$0x2] =	stream.linear.gather [hbm4b:s8+s5], $0x4000, $0x38;
	[tilespmem:$0x1EB00] =	vst v63  }
0x177: {  	_ =	swait.ge [sflag:s21], $0x4000  }
0x178: {  	[sflag:s21] =	ssyncset.done $0x0  }
0x179: {  	[sflag:s21] =	ssyncadd.s32 $0xFFFFC000  }
0x17a: {  	[spmem:s2] =	stream.indirect.scatter.add.f32 [tilespmem:s19], [sflag:$0x3], $0x80, s9, s22, $0xb8;
	[tilespmem:$0x1EB00] =	vst v63  }
0x17b: {  	_ =	swait.ge [sflag:s14], $0x4000  }
0x17c: {  	[sflag:s14] =	ssyncset.done $0x0  }
0x17d: {  	[sflag:s14] =	ssyncadd.s32 $0xFFFFC000  }
0x17e: {  	[spmem:s3] =	stream.indirect.scatter.add.f32 [tilespmem:s16], [sflag:$0x3], $0x1, s9, s22, $0xb8;
	[tilespmem:$0x1EB00] =	vst v63  }
0x17f: {  	_ =	swait.ge [sflag:s14], $0x80  }
0x180: {  	[sflag:s14] =	ssyncset.done $0x0  }
0x181: {  	s10 =	sadd.s32 s10, s13;
	[sflag:s14] =	ssyncadd.s32 $0xFFFFFF80  }
0x182: {  	[tilespmem:s19], [sflag:$0x1] =	stream.linear.gather [hbm4b:s10+s5], $0x4000, $0x38;
	[tilespmem:$0x1EB00] =	vst v63  }
0x183: {  	_ =	swait.ge [sflag:s23], $0x4000  }
0x184: {  	[sflag:s23] =	ssyncset.done $0x0  }
0x185: {  	s24 =	sadd.s32 $0x100, s9;
	[sflag:s23] =	ssyncadd.s32 $0xFFFFC000  }
0x186: {  	[spmem:s2] =	stream.indirect.scatter.add.f32 [tilespmem:s20], [sflag:$0x3], $0x80, s24, s22, $0xb8;
	[tilespmem:$0x1EB00] =	vst v63  }
0x187: {  	_ =	swait.ge [sflag:s14], $0x4000  }
0x188: {  	[sflag:s14] =	ssyncset.done $0x0  }
0x189: {  	[sflag:s14] =	ssyncadd.s32 $0xFFFFC000  }
0x18a: {  	[spmem:s3] =	stream.indirect.scatter.add.f32 [tilespmem:s16], [sflag:$0x3], $0x1, s24, s22, $0xb8;
	[tilespmem:$0x1EB00] =	vst v63  }
0x18b: {  	_ =	swait.ge [sflag:s14], $0x80  }
0x18c: {  	[sflag:s14] =	ssyncset.done $0x0  }
0x18d: {  	s28 =	rddreg [dreg:$0xb];
	[sflag:s14] =	ssyncadd.s32 $0xFFFFFF80  }
0x18e: {  	[tilespmem:s20], [sflag:$0x2] =	stream.linear.gather [hbm4b:s28+s5], $0x4000, $0x38;
	[tilespmem:$0x1EB00] =	vst v63  }
0x18f: {  	_ =	swait.ge [sflag:s21], $0x4000  }
0x190: {  	[sflag:s21] =	ssyncset.done $0x0  }
0x191: {  	[sflag:s21] =	ssyncadd.s32 $0xFFFFC000  }
0x192: {  	[spmem:s2] =	stream.indirect.scatter.add.f32 [tilespmem:s19], [sflag:$0x3], $0x80, s30, s22, $0xb8;
	[tilespmem:$0x1EB00] =	vst v63  }
0x193: {  	_ =	swait.ge [sflag:s14], $0x4000  }
0x194: {  	[sflag:s14] =	ssyncset.done $0x0  }
0x195: {  	[sflag:s14] =	ssyncadd.s32 $0xFFFFC000  }
0x196: {  	[spmem:s3] =	stream.indirect.scatter.add.f32 [tilespmem:s16], [sflag:$0x3], $0x1, s30, s22, $0xb8;
	[tilespmem:$0x1EB00] =	vst v63  }
0x197: {  	_ =	swait.ge [sflag:s14], $0x80  }
0x198: {  	[sflag:s14] =	ssyncset.done $0x0  }
0x199: {  	[sflag:s14] =	ssyncadd.s32 $0xFFFFFF80  }
0x19a: {  	_ =	swait.ge [sflag:s23], $0x4000  }
0x19b: {  	[sflag:s23] =	ssyncset.done $0x0  }
0x19c: {  	s9 =	rddreg [dreg:$0x18];
	[sflag:s23] =	ssyncadd.s32 $0xFFFFC000  }
0x19d: {  	[spmem:s2] =	stream.indirect.scatter.add.f32 [tilespmem:s20], [sflag:$0x3], $0x80, s9, s22, $0xb8;
	[tilespmem:$0x1EB00] =	vst v63  }
0x19e: {  	_ =	swait.ge [sflag:s14], $0x4000  }
0x19f: {  	[sflag:s14] =	ssyncset.done $0x0  }
0x1a0: {  	[sflag:s14] =	ssyncadd.s32 $0xFFFFC000  }
0x1a1: {  	[spmem:s3] =	stream.indirect.scatter.add.f32 [tilespmem:s16], [sflag:$0x3], $0x1, s9, s22, $0xb8;
	[tilespmem:$0x1EB00] =	vst v63  }
0x1a2: {  	_ =	swait.ge [sflag:s14], $0x80  }
0x1a3: {  	[sflag:s14] =	ssyncset.done $0x0  }
0x1a4: {  	[sflag:s14] =	ssyncadd.s32 $0xFFFFFF80  }
0x1a5: {  	[bflag:$0x0] =	sbarrier.arrive $0xFFFF  }
0x1a6: {  	s10 =	rddreg [dreg:$0x12]  }
0x1a7: {  	[hbm:s10], [sflag:s15] =	dma.local [spmem:s11], $0x2800  }
0x1a8: {  	_ =	swait.ge [sflag:s14], $0x2800  }
0x1a9: {  	[sflag:s14] =	ssyncset.done $0x0;
	s24 =	rddreg [dreg:$0x13]  }
0x1aa: {  	s28 =	rddreg [dreg:$0x1a];
	[sflag:s14] =	ssyncadd.s32 $0xFFFFD800  }
0x1ab: {  	[hbm:s24], [sflag:s15] =	dma.local [spmem:s28], $0x50  }
0x1ac: {  	_ =	swait.ge [sflag:s14], $0x50  }
0x1ad: {  	s25 =	sadd.s32 $0x1, s25;
	s30 =	rddreg [dreg:$0x14]  }
0x1ae: {  	p0 =	sne.s32 s25, s30  }
.Ltmp4:
0x1af: {  	_ = 	snop;
	(pc) =	sbr.rel @p0 .LBB2_1-.Ltmp4, $3  }
0x1b0: {  	_ =	sdelay $0x1  }
0x1b1: {  	[sflag:s14] =	ssyncset.done $0x0  }
0x1b2: {  	s29 =	rddreg [dreg:$0x6];
	[sflag:s14] =	ssyncadd.s32 $0xFFFFFFB0  }
0x1b3: {  	_ =	sfence.sel $0x180000  }
0x1b4: {  	[bflag:$0x0] =	sbarrier.arrive $0xFFFF  }
0x1b5: {  	_ =	strace $0x90000047  }
0x1b6: {  	s0 =	stileid.u32;
	[bflag:$0x2] =	sbarrier.arrive $0xFFFF  }
0x1b7: {  	p0 =	sne.s32 s0, $0x0;
	s0 =	rddreg [dreg:$0x4]  }
0x1b8: {  	s0 =	sadd.s32 @!p0 $0x100000, s0  }
0x1b9: {  	[sflag:s0] =	ssyncadd.tile.s32 @!p0 $0x1;
	_ =	shalt  }
.Lfunc_end2:
_tile_overlayer_lowered:
.L_overlay_start_2:
0x1ba: {  	(tag) =	ssettag $0x2  }
0x1bb: {  	s0 =	rddreg [dreg:$0x0];
	s2 =	stileid.u32  }
0x1bc: {  	s1 =	rddreg [dreg:$0x1];
	p0 =	sne.s32 s2, $0x0  }
0x1bd: {  	s3 =	rddreg [dreg:$0x2];
	[bflag:$0x3] =	sbarrier.arrive $0xFFFF;
	s2 =	simm.s32 @!p0 $0x1C03  }
0x1be: {  	[timem:s3], [sflag:s2] =	dma.local @!p0 [hbm:s0], s1  }
0x1bf: {  	s0 =	simm.s32 @!p0 $0x3  }
0x1c0: {  	_ =	swait.ge @!p0 [sflag:s0], s1  }
0x1c1: {  	s1 =	ssub.s32 @!p0 $0x0, s1;
	[sflag:s0] =	ssyncset.done @!p0 $0x0  }
0x1c2: {  	[sflag:s0] =	ssyncadd.s32 @!p0 s1  }
0x1c3: {  	[bflag:$0x3] =	sbarrier.arrive $0xFFFF  }
0x1c4: {  	_ =	shalt  }

</sc_bundles>
